<compile_context>
chip_gen: v7x
topology: tpu7x:2x2x1
jax: 0.10.2.dev20260603
libtpu: 0.0.44.dev20260713+nightly
codegen_flags: <defaults>
</compile_context>

<pallas_src>
import functools

import jax
import jax.numpy as jnp
from jax import lax
from jax.experimental import pallas as pl
from jax.experimental.pallas import tpu as pltpu
from jax.experimental.pallas import tpu_sc as plsc

B = 128
N = 100000

RA = 16
JA = B // RA
NSLOT = 3

NW = 32
CH = 20000
RPW = B // NW


def _tc_argmax_body(x_hbm, idx_hbm, rbuf, ibuf, rsem, isem):
    def _read(j, slot):
        pltpu.make_async_copy(
            x_hbm.at[pl.ds(j * RA, RA), :], rbuf.at[slot], rsem.at[slot]
        ).start()

    def _rwait(j, slot):
        pltpu.make_async_copy(
            x_hbm.at[pl.ds(j * RA, RA), :], rbuf.at[slot], rsem.at[slot]
        ).wait()

    _read(0, 0)
    _read(1, 1)

    def _step(j, _):
        slot = lax.rem(j, NSLOT)
        _rwait(j, slot)

        @pl.when(j + 2 < JA)
        def _():
            _read(j + 2, lax.rem(j + 2, NSLOT))

        x = rbuf[slot]
        col = lax.broadcasted_iota(jnp.int32, (RA, N), 1)
        bmax = jnp.max(x, axis=1, keepdims=True)
        bidx = jnp.min(jnp.where(x == bmax, col, N), axis=1, keepdims=True)
        row = lax.broadcasted_iota(jnp.int32, (RA, 1), 0) + j * RA
        ibuf[pl.ds(j * RA, RA), :] = bidx + row * N
        return 0

    lax.fori_loop(0, JA, _step, 0)

    pltpu.make_async_copy(ibuf, idx_hbm, isem).start()
    pltpu.make_async_copy(ibuf, idx_hbm, isem).wait()


_tc_argmax = pl.pallas_call(
    _tc_argmax_body,
    in_specs=[pl.BlockSpec(memory_space=pl.ANY)],
    out_specs=pl.BlockSpec(memory_space=pl.ANY),
    out_shape=jax.ShapeDtypeStruct((B, 1), jnp.int32),
    scratch_shapes=[
        pltpu.VMEM((NSLOT, RA, N), jnp.float32),
        pltpu.VMEM((B, 1), jnp.int32),
        pltpu.SemaphoreType.DMA((NSLOT,)),
        pltpu.SemaphoreType.DMA,
    ],
)


@functools.cache
def _make_sc_zeros():
    mesh = plsc.VectorSubcoreMesh(core_axis_name="c", subcore_axis_name="s")

    @functools.partial(
        pl.kernel,
        out_type=jax.ShapeDtypeStruct((B * N,), jnp.float32),
        mesh=mesh,
        scratch_types=[
            pltpu.VMEM((CH,), jnp.float32),
            pltpu.SemaphoreType.DMA,
        ],
    )
    def _sc_zeros(out_hbm, zbuf, sem):
        c = lax.axis_index("c")
        s = lax.axis_index("s")
        wid = s * 2 + c

        @pl.loop(0, CH // 16, unroll=8)
        def _(i):
            zbuf[pl.ds(i * 16, 16)] = jnp.zeros((16,), jnp.float32)

        base = wid * RPW * N
        copies = [
            pltpu.async_copy(
                zbuf, out_hbm.at[pl.ds(base + k * CH, CH)], sem)
            for k in range(RPW * N // CH)
        ]
        for cp in copies:
            cp.wait()

    return _sc_zeros


@functools.cache
def _make_sc_ones():
    mesh = plsc.VectorSubcoreMesh(core_axis_name="c", subcore_axis_name="s")

    @functools.partial(
        pl.kernel,
        mesh=mesh,
        scratch_types=[
            pltpu.VMEM((B,), jnp.int32),
            pltpu.VMEM((B,), jnp.float32),
            pltpu.SemaphoreType.DMA,
        ],
    )
    def _sc_ones(out_hbm, idx_hbm, idx_v, ones_v, sem):
        c = lax.axis_index("c")
        s = lax.axis_index("s")

        @pl.when((c == 0) & (s == 0))
        def _():
            pltpu.sync_copy(idx_hbm, idx_v)
            for i in range(B // 16):
                ones_v[pl.ds(i * 16, 16)] = jnp.full((16,), 1.0, jnp.float32)
            pltpu.async_copy(ones_v, out_hbm.at[idx_v], sem).wait()

    return _sc_ones


def kernel(logits, use_gpu):
    del use_gpu
    idx = _tc_argmax(logits)
    flat = _make_sc_zeros()()
    flat_ref = jax.new_ref(flat)
    _make_sc_ones()(flat_ref, idx.reshape(B))
    return jax.freeze(flat_ref).reshape(B, N)

# --- scband reference (transcript-rebuilt; emitter-appended) ---
"""Pipeline reference for scband-greedy-connector-67499706023997 (READ-ONLY COPY).

The authoritative reference and input builder live on the scoring server;
editing this copy changes nothing except your own understanding.
"""

import jax, jax.numpy as jnp
import numpy as np


def setup_inputs(seed: int = 0) -> dict:
    key = jax.random.key(seed)
    logits = jax.random.normal(key, (128, 100000), dtype=jnp.float32)
    # use_gpu is a plain python scalar flag consumed by the original module's cast helper;
    # it does not change the math. 0 -> CPU/no-op cast.
    return {"logits": logits, "use_gpu": 0}


def reference(logits, use_gpu):
    # torch.max(logits, dim=1, keepdim=True) -> indices y_hard [B, 1]
    y_hard = jnp.argmax(logits, axis=1, keepdims=True)
    # zeros_like(logits).scatter_(1, y_hard, 1.0) -> one-hot along class dim
    rows = jnp.arange(logits.shape[0])[:, None]
    y_onehot = jnp.zeros(logits.shape, dtype=jnp.float32).at[rows, y_hard].set(1.0)
    return y_onehot

if __name__ == "__main__":
    import jax
    _d = setup_inputs()
    print(jax.jit(kernel)(*tuple(_d.values())))

</pallas_src>

<mosaic_0001>
#map = affine_map<(d0, d1) -> (0)>
module attributes {stable_mosaic.version = 14 : i64} {
  func.func @_sc_zeros(%arg0: i32, %arg1: i32, %arg2: memref<12800000xf32, #tpu.memory_space<hbm>>, %arg3: memref<20000xf32, #tpu.memory_space<vmem>>, %arg4: memref<!tpu.dma_semaphore, #tpu.memory_space<semaphore_mem>>) attributes {dimension_semantics = [#tpu.dimension_semantics<core_parallel>, #tpu.dimension_semantics<subcore_parallel>], iteration_bounds = array<i64: 2, 16>, scalar_prefetch = 0 : i64, scratch_operands = 2 : i64, tpu.core_type = #tpu.core_type<sc_vector_subcore>, window_params = [{transform_indices = #map}]} {
    %mul3A = arith.constant 2 : i32
    %mul3A_0 = arith.muli %arg1, %mul3A : i32
    %add3A = arith.addi %mul3A_0, %arg0 : i32
    %scan3A = arith.constant 0 : i32
    %scan3A_1 = arith.constant 1248 : i32
    %scan3A_2 = arith.addi %scan3A, %scan3A_1 : i32
    %scan3A_3 = arith.constant 8 : i32
    scf.for %scan3A_153 = %scan3A to %scan3A_2 step %scan3A_3  : i32 {
      %mul3A_154 = arith.constant 1 : i32
      %mul3A_155 = arith.muli %scan3A_153, %mul3A_154 : i32
      %add3A_156 = arith.constant 0 : i32
      %add3A_157 = arith.addi %add3A_156, %mul3A_155 : i32
      %broadcast_in_dim3A_158 = arith.constant 0.000000e+00 : f32
      %broadcast_in_dim3A_159 = vector.broadcast %broadcast_in_dim3A_158 : f32 to vector<16xf32>
      %mul3A_160 = arith.constant 16 : i32
      %mul3A_161 = arith.muli %add3A_157, %mul3A_160 : i32
      %swap3A_162 = arith.index_cast %mul3A_161 : i32 to index
      %swap3A_163 = tpu.vector_load %arg3[%swap3A_162] {strides = array<i32>} : memref<20000xf32, #tpu.memory_space<vmem>>, vector<16xf32>,
      %swap3A_164 = vector.shape_cast %swap3A_163 : vector<16xf32> to vector<16xf32>
      %swap3A_165 = vector.shape_cast %broadcast_in_dim3A_159 : vector<16xf32> to vector<16xf32>
      tpu.vector_store %arg3[%swap3A_162], %swap3A_165 {strides = array<i32>} : memref<20000xf32, #tpu.memory_space<vmem>>, vector<16xf32>,
      %scan3A_166 = arith.constant 1 : i32
      %scan3A_167 = arith.addi %scan3A_153, %scan3A_166 : i32
      %mul3A_168 = arith.constant 1 : i32
      %mul3A_169 = arith.muli %scan3A_167, %mul3A_168 : i32
      %add3A_170 = arith.constant 0 : i32
      %add3A_171 = arith.addi %add3A_170, %mul3A_169 : i32
      %broadcast_in_dim3A_172 = arith.constant 0.000000e+00 : f32
      %broadcast_in_dim3A_173 = vector.broadcast %broadcast_in_dim3A_172 : f32 to vector<16xf32>
      %mul3A_174 = arith.constant 16 : i32
      %mul3A_175 = arith.muli %add3A_171, %mul3A_174 : i32
      %swap3A_176 = arith.index_cast %mul3A_175 : i32 to index
      %swap3A_177 = tpu.vector_load %arg3[%swap3A_176] {strides = array<i32>} : memref<20000xf32, #tpu.memory_space<vmem>>, vector<16xf32>,
      %swap3A_178 = vector.shape_cast %swap3A_177 : vector<16xf32> to vector<16xf32>
      %swap3A_179 = vector.shape_cast %broadcast_in_dim3A_173 : vector<16xf32> to vector<16xf32>
      tpu.vector_store %arg3[%swap3A_176], %swap3A_179 {strides = array<i32>} : memref<20000xf32, #tpu.memory_space<vmem>>, vector<16xf32>,
      %scan3A_180 = arith.constant 2 : i32
      %scan3A_181 = arith.addi %scan3A_153, %scan3A_180 : i32
      %mul3A_182 = arith.constant 1 : i32
      %mul3A_183 = arith.muli %scan3A_181, %mul3A_182 : i32
      %add3A_184 = arith.constant 0 : i32
      %add3A_185 = arith.addi %add3A_184, %mul3A_183 : i32
      %broadcast_in_dim3A_186 = arith.constant 0.000000e+00 : f32
      %broadcast_in_dim3A_187 = vector.broadcast %broadcast_in_dim3A_186 : f32 to vector<16xf32>
      %mul3A_188 = arith.constant 16 : i32
      %mul3A_189 = arith.muli %add3A_185, %mul3A_188 : i32
      %swap3A_190 = arith.index_cast %mul3A_189 : i32 to index
      %swap3A_191 = tpu.vector_load %arg3[%swap3A_190] {strides = array<i32>} : memref<20000xf32, #tpu.memory_space<vmem>>, vector<16xf32>,
      %swap3A_192 = vector.shape_cast %swap3A_191 : vector<16xf32> to vector<16xf32>
      %swap3A_193 = vector.shape_cast %broadcast_in_dim3A_187 : vector<16xf32> to vector<16xf32>
      tpu.vector_store %arg3[%swap3A_190], %swap3A_193 {strides = array<i32>} : memref<20000xf32, #tpu.memory_space<vmem>>, vector<16xf32>,
      %scan3A_194 = arith.constant 3 : i32
      %scan3A_195 = arith.addi %scan3A_153, %scan3A_194 : i32
      %mul3A_196 = arith.constant 1 : i32
      %mul3A_197 = arith.muli %scan3A_195, %mul3A_196 : i32
      %add3A_198 = arith.constant 0 : i32
      %add3A_199 = arith.addi %add3A_198, %mul3A_197 : i32
      %broadcast_in_dim3A_200 = arith.constant 0.000000e+00 : f32
      %broadcast_in_dim3A_201 = vector.broadcast %broadcast_in_dim3A_200 : f32 to vector<16xf32>
      %mul3A_202 = arith.constant 16 : i32
      %mul3A_203 = arith.muli %add3A_199, %mul3A_202 : i32
      %swap3A_204 = arith.index_cast %mul3A_203 : i32 to index
      %swap3A_205 = tpu.vector_load %arg3[%swap3A_204] {strides = array<i32>} : memref<20000xf32, #tpu.memory_space<vmem>>, vector<16xf32>,
      %swap3A_206 = vector.shape_cast %swap3A_205 : vector<16xf32> to vector<16xf32>
      %swap3A_207 = vector.shape_cast %broadcast_in_dim3A_201 : vector<16xf32> to vector<16xf32>
      tpu.vector_store %arg3[%swap3A_204], %swap3A_207 {strides = array<i32>} : memref<20000xf32, #tpu.memory_space<vmem>>, vector<16xf32>,
      %scan3A_208 = arith.constant 4 : i32
      %scan3A_209 = arith.addi %scan3A_153, %scan3A_208 : i32
      %mul3A_210 = arith.constant 1 : i32
      %mul3A_211 = arith.muli %scan3A_209, %mul3A_210 : i32
      %add3A_212 = arith.constant 0 : i32
      %add3A_213 = arith.addi %add3A_212, %mul3A_211 : i32
      %broadcast_in_dim3A_214 = arith.constant 0.000000e+00 : f32
      %broadcast_in_dim3A_215 = vector.broadcast %broadcast_in_dim3A_214 : f32 to vector<16xf32>
      %mul3A_216 = arith.constant 16 : i32
      %mul3A_217 = arith.muli %add3A_213, %mul3A_216 : i32
      %swap3A_218 = arith.index_cast %mul3A_217 : i32 to index
      %swap3A_219 = tpu.vector_load %arg3[%swap3A_218] {strides = array<i32>} : memref<20000xf32, #tpu.memory_space<vmem>>, vector<16xf32>,
      %swap3A_220 = vector.shape_cast %swap3A_219 : vector<16xf32> to vector<16xf32>
      %swap3A_221 = vector.shape_cast %broadcast_in_dim3A_215 : vector<16xf32> to vector<16xf32>
      tpu.vector_store %arg3[%swap3A_218], %swap3A_221 {strides = array<i32>} : memref<20000xf32, #tpu.memory_space<vmem>>, vector<16xf32>,
      %scan3A_222 = arith.constant 5 : i32
      %scan3A_223 = arith.addi %scan3A_153, %scan3A_222 : i32
      %mul3A_224 = arith.constant 1 : i32
      %mul3A_225 = arith.muli %scan3A_223, %mul3A_224 : i32
      %add3A_226 = arith.constant 0 : i32
      %add3A_227 = arith.addi %add3A_226, %mul3A_225 : i32
      %broadcast_in_dim3A_228 = arith.constant 0.000000e+00 : f32
      %broadcast_in_dim3A_229 = vector.broadcast %broadcast_in_dim3A_228 : f32 to vector<16xf32>
      %mul3A_230 = arith.constant 16 : i32
      %mul3A_231 = arith.muli %add3A_227, %mul3A_230 : i32
      %swap3A_232 = arith.index_cast %mul3A_231 : i32 to index
      %swap3A_233 = tpu.vector_load %arg3[%swap3A_232] {strides = array<i32>} : memref<20000xf32, #tpu.memory_space<vmem>>, vector<16xf32>,
      %swap3A_234 = vector.shape_cast %swap3A_233 : vector<16xf32> to vector<16xf32>
      %swap3A_235 = vector.shape_cast %broadcast_in_dim3A_229 : vector<16xf32> to vector<16xf32>
      tpu.vector_store %arg3[%swap3A_232], %swap3A_235 {strides = array<i32>} : memref<20000xf32, #tpu.memory_space<vmem>>, vector<16xf32>,
      %scan3A_236 = arith.constant 6 : i32
      %scan3A_237 = arith.addi %scan3A_153, %scan3A_236 : i32
      %mul3A_238 = arith.constant 1 : i32
      %mul3A_239 = arith.muli %scan3A_237, %mul3A_238 : i32
      %add3A_240 = arith.constant 0 : i32
      %add3A_241 = arith.addi %add3A_240, %mul3A_239 : i32
      %broadcast_in_dim3A_242 = arith.constant 0.000000e+00 : f32
      %broadcast_in_dim3A_243 = vector.broadcast %broadcast_in_dim3A_242 : f32 to vector<16xf32>
      %mul3A_244 = arith.constant 16 : i32
      %mul3A_245 = arith.muli %add3A_241, %mul3A_244 : i32
      %swap3A_246 = arith.index_cast %mul3A_245 : i32 to index
      %swap3A_247 = tpu.vector_load %arg3[%swap3A_246] {strides = array<i32>} : memref<20000xf32, #tpu.memory_space<vmem>>, vector<16xf32>,
      %swap3A_248 = vector.shape_cast %swap3A_247 : vector<16xf32> to vector<16xf32>
      %swap3A_249 = vector.shape_cast %broadcast_in_dim3A_243 : vector<16xf32> to vector<16xf32>
      tpu.vector_store %arg3[%swap3A_246], %swap3A_249 {strides = array<i32>} : memref<20000xf32, #tpu.memory_space<vmem>>, vector<16xf32>,
      %scan3A_250 = arith.constant 7 : i32
      %scan3A_251 = arith.addi %scan3A_153, %scan3A_250 : i32
      %mul3A_252 = arith.constant 1 : i32
      %mul3A_253 = arith.muli %scan3A_251, %mul3A_252 : i32
      %add3A_254 = arith.constant 0 : i32
      %add3A_255 = arith.addi %add3A_254, %mul3A_253 : i32
      %broadcast_in_dim3A_256 = arith.constant 0.000000e+00 : f32
      %broadcast_in_dim3A_257 = vector.broadcast %broadcast_in_dim3A_256 : f32 to vector<16xf32>
      %mul3A_258 = arith.constant 16 : i32
      %mul3A_259 = arith.muli %add3A_255, %mul3A_258 : i32
      %swap3A_260 = arith.index_cast %mul3A_259 : i32 to index
      %swap3A_261 = tpu.vector_load %arg3[%swap3A_260] {strides = array<i32>} : memref<20000xf32, #tpu.memory_space<vmem>>, vector<16xf32>,
      %swap3A_262 = vector.shape_cast %swap3A_261 : vector<16xf32> to vector<16xf32>
      %swap3A_263 = vector.shape_cast %broadcast_in_dim3A_257 : vector<16xf32> to vector<16xf32>
      tpu.vector_store %arg3[%swap3A_260], %swap3A_263 {strides = array<i32>} : memref<20000xf32, #tpu.memory_space<vmem>>, vector<16xf32>,
    }
    %scan3A_4 = arith.constant 1248 : i32
    %scan3A_5 = arith.addi %scan3A, %scan3A_4 : i32
    %mul3A_6 = arith.constant 1 : i32
    %mul3A_7 = arith.muli %scan3A_5, %mul3A_6 : i32
    %add3A_8 = arith.constant 0 : i32
    %add3A_9 = arith.addi %add3A_8, %mul3A_7 : i32
    %broadcast_in_dim3A = arith.constant 0.000000e+00 : f32
    %broadcast_in_dim3A_10 = vector.broadcast %broadcast_in_dim3A : f32 to vector<16xf32>
    %mul3A_11 = arith.constant 16 : i32
    %mul3A_12 = arith.muli %add3A_9, %mul3A_11 : i32
    %swap3A = arith.index_cast %mul3A_12 : i32 to index
    %swap3A_13 = tpu.vector_load %arg3[%swap3A] {strides = array<i32>} : memref<20000xf32, #tpu.memory_space<vmem>>, vector<16xf32>,
    %swap3A_14 = vector.shape_cast %swap3A_13 : vector<16xf32> to vector<16xf32>
    %swap3A_15 = vector.shape_cast %broadcast_in_dim3A_10 : vector<16xf32> to vector<16xf32>
    tpu.vector_store %arg3[%swap3A], %swap3A_15 {strides = array<i32>} : memref<20000xf32, #tpu.memory_space<vmem>>, vector<16xf32>,
    %scan3A_16 = arith.constant 1249 : i32
    %scan3A_17 = arith.addi %scan3A, %scan3A_16 : i32
    %mul3A_18 = arith.constant 1 : i32
    %mul3A_19 = arith.muli %scan3A_17, %mul3A_18 : i32
    %add3A_20 = arith.constant 0 : i32
    %add3A_21 = arith.addi %add3A_20, %mul3A_19 : i32
    %broadcast_in_dim3A_22 = arith.constant 0.000000e+00 : f32
    %broadcast_in_dim3A_23 = vector.broadcast %broadcast_in_dim3A_22 : f32 to vector<16xf32>
    %mul3A_24 = arith.constant 16 : i32
    %mul3A_25 = arith.muli %add3A_21, %mul3A_24 : i32
    %swap3A_26 = arith.index_cast %mul3A_25 : i32 to index
    %swap3A_27 = tpu.vector_load %arg3[%swap3A_26] {strides = array<i32>} : memref<20000xf32, #tpu.memory_space<vmem>>, vector<16xf32>,
    %swap3A_28 = vector.shape_cast %swap3A_27 : vector<16xf32> to vector<16xf32>
    %swap3A_29 = vector.shape_cast %broadcast_in_dim3A_23 : vector<16xf32> to vector<16xf32>
    tpu.vector_store %arg3[%swap3A_26], %swap3A_29 {strides = array<i32>} : memref<20000xf32, #tpu.memory_space<vmem>>, vector<16xf32>,
    %scan3A_30 = arith.constant 1250 : i32
    %mul3A_31 = arith.constant 4 : i32
    %mul3A_32 = arith.muli %add3A, %mul3A_31 : i32
    %mul3A_33 = arith.constant 100000 : i32
    %mul3A_34 = arith.muli %mul3A_32, %mul3A_33 : i32
    %add3A_35 = arith.constant 0 : i32
    %add3A_36 = arith.addi %mul3A_34, %add3A_35 : i32
    %dma_start3A = tpu.memref_slice %arg2[%add3A_36] : memref<12800000xf32, #tpu.memory_space<hbm>> -> memref<20000xf32, #tpu.memory_space<hbm>>
    %dma_start3A_37 = tpu.memref_slice %arg2[%add3A_36] : memref<12800000xf32, #tpu.memory_space<hbm>> -> memref<20000xf32, #tpu.memory_space<hbm>>
    tpu.enqueue_dma source(%arg3 : memref<20000xf32, #tpu.memory_space<vmem>>) target(%dma_start3A_37 : memref<20000xf32, #tpu.memory_space<hbm>>) target_semaphore(%arg4 : memref<!tpu.dma_semaphore, #tpu.memory_space<semaphore_mem>>)
    %add3A_38 = arith.constant 20000 : i32
    %add3A_39 = arith.addi %mul3A_34, %add3A_38 : i32
    %dma_start3A_40 = tpu.memref_slice %arg2[%add3A_39] : memref<12800000xf32, #tpu.memory_space<hbm>> -> memref<20000xf32, #tpu.memory_space<hbm>>
    %dma_start3A_41 = tpu.memref_slice %arg2[%add3A_39] : memref<12800000xf32, #tpu.memory_space<hbm>> -> memref<20000xf32, #tpu.memory_space<hbm>>
    tpu.enqueue_dma source(%arg3 : memref<20000xf32, #tpu.memory_space<vmem>>) target(%dma_start3A_41 : memref<20000xf32, #tpu.memory_space<hbm>>) target_semaphore(%arg4 : memref<!tpu.dma_semaphore, #tpu.memory_space<semaphore_mem>>)
    %add3A_42 = arith.constant 40000 : i32
    %add3A_43 = arith.addi %mul3A_34, %add3A_42 : i32
    %dma_start3A_44 = tpu.memref_slice %arg2[%add3A_43] : memref<12800000xf32, #tpu.memory_space<hbm>> -> memref<20000xf32, #tpu.memory_space<hbm>>
    %dma_start3A_45 = tpu.memref_slice %arg2[%add3A_43] : memref<12800000xf32, #tpu.memory_space<hbm>> -> memref<20000xf32, #tpu.memory_space<hbm>>
    tpu.enqueue_dma source(%arg3 : memref<20000xf32, #tpu.memory_space<vmem>>) target(%dma_start3A_45 : memref<20000xf32, #tpu.memory_space<hbm>>) target_semaphore(%arg4 : memref<!tpu.dma_semaphore, #tpu.memory_space<semaphore_mem>>)
    %add3A_46 = arith.constant 60000 : i32
    %add3A_47 = arith.addi %mul3A_34, %add3A_46 : i32
    %dma_start3A_48 = tpu.memref_slice %arg2[%add3A_47] : memref<12800000xf32, #tpu.memory_space<hbm>> -> memref<20000xf32, #tpu.memory_space<hbm>>
    %dma_start3A_49 = tpu.memref_slice %arg2[%add3A_47] : memref<12800000xf32, #tpu.memory_space<hbm>> -> memref<20000xf32, #tpu.memory_space<hbm>>
    tpu.enqueue_dma source(%arg3 : memref<20000xf32, #tpu.memory_space<vmem>>) target(%dma_start3A_49 : memref<20000xf32, #tpu.memory_space<hbm>>) target_semaphore(%arg4 : memref<!tpu.dma_semaphore, #tpu.memory_space<semaphore_mem>>)
    %add3A_50 = arith.constant 80000 : i32
    %add3A_51 = arith.addi %mul3A_34, %add3A_50 : i32
    %dma_start3A_52 = tpu.memref_slice %arg2[%add3A_51] : memref<12800000xf32, #tpu.memory_space<hbm>> -> memref<20000xf32, #tpu.memory_space<hbm>>
    %dma_start3A_53 = tpu.memref_slice %arg2[%add3A_51] : memref<12800000xf32, #tpu.memory_space<hbm>> -> memref<20000xf32, #tpu.memory_space<hbm>>
    tpu.enqueue_dma source(%arg3 : memref<20000xf32, #tpu.memory_space<vmem>>) target(%dma_start3A_53 : memref<20000xf32, #tpu.memory_space<hbm>>) target_semaphore(%arg4 : memref<!tpu.dma_semaphore, #tpu.memory_space<semaphore_mem>>)
    %add3A_54 = arith.constant 100000 : i32
    %add3A_55 = arith.addi %mul3A_34, %add3A_54 : i32
    %dma_start3A_56 = tpu.memref_slice %arg2[%add3A_55] : memref<12800000xf32, #tpu.memory_space<hbm>> -> memref<20000xf32, #tpu.memory_space<hbm>>
    %dma_start3A_57 = tpu.memref_slice %arg2[%add3A_55] : memref<12800000xf32, #tpu.memory_space<hbm>> -> memref<20000xf32, #tpu.memory_space<hbm>>
    tpu.enqueue_dma source(%arg3 : memref<20000xf32, #tpu.memory_space<vmem>>) target(%dma_start3A_57 : memref<20000xf32, #tpu.memory_space<hbm>>) target_semaphore(%arg4 : memref<!tpu.dma_semaphore, #tpu.memory_space<semaphore_mem>>)
    %add3A_58 = arith.constant 120000 : i32
    %add3A_59 = arith.addi %mul3A_34, %add3A_58 : i32
    %dma_start3A_60 = tpu.memref_slice %arg2[%add3A_59] : memref<12800000xf32, #tpu.memory_space<hbm>> -> memref<20000xf32, #tpu.memory_space<hbm>>
    %dma_start3A_61 = tpu.memref_slice %arg2[%add3A_59] : memref<12800000xf32, #tpu.memory_space<hbm>> -> memref<20000xf32, #tpu.memory_space<hbm>>
    tpu.enqueue_dma source(%arg3 : memref<20000xf32, #tpu.memory_space<vmem>>) target(%dma_start3A_61 : memref<20000xf32, #tpu.memory_space<hbm>>) target_semaphore(%arg4 : memref<!tpu.dma_semaphore, #tpu.memory_space<semaphore_mem>>)
    %add3A_62 = arith.constant 140000 : i32
    %add3A_63 = arith.addi %mul3A_34, %add3A_62 : i32
    %dma_start3A_64 = tpu.memref_slice %arg2[%add3A_63] : memref<12800000xf32, #tpu.memory_space<hbm>> -> memref<20000xf32, #tpu.memory_space<hbm>>
    %dma_start3A_65 = tpu.memref_slice %arg2[%add3A_63] : memref<12800000xf32, #tpu.memory_space<hbm>> -> memref<20000xf32, #tpu.memory_space<hbm>>
    tpu.enqueue_dma source(%arg3 : memref<20000xf32, #tpu.memory_space<vmem>>) target(%dma_start3A_65 : memref<20000xf32, #tpu.memory_space<hbm>>) target_semaphore(%arg4 : memref<!tpu.dma_semaphore, #tpu.memory_space<semaphore_mem>>)
    %add3A_66 = arith.constant 160000 : i32
    %add3A_67 = arith.addi %mul3A_34, %add3A_66 : i32
    %dma_start3A_68 = tpu.memref_slice %arg2[%add3A_67] : memref<12800000xf32, #tpu.memory_space<hbm>> -> memref<20000xf32, #tpu.memory_space<hbm>>
    %dma_start3A_69 = tpu.memref_slice %arg2[%add3A_67] : memref<12800000xf32, #tpu.memory_space<hbm>> -> memref<20000xf32, #tpu.memory_space<hbm>>
    tpu.enqueue_dma source(%arg3 : memref<20000xf32, #tpu.memory_space<vmem>>) target(%dma_start3A_69 : memref<20000xf32, #tpu.memory_space<hbm>>) target_semaphore(%arg4 : memref<!tpu.dma_semaphore, #tpu.memory_space<semaphore_mem>>)
    %add3A_70 = arith.constant 180000 : i32
    %add3A_71 = arith.addi %mul3A_34, %add3A_70 : i32
    %dma_start3A_72 = tpu.memref_slice %arg2[%add3A_71] : memref<12800000xf32, #tpu.memory_space<hbm>> -> memref<20000xf32, #tpu.memory_space<hbm>>
    %dma_start3A_73 = tpu.memref_slice %arg2[%add3A_71] : memref<12800000xf32, #tpu.memory_space<hbm>> -> memref<20000xf32, #tpu.memory_space<hbm>>
    tpu.enqueue_dma source(%arg3 : memref<20000xf32, #tpu.memory_space<vmem>>) target(%dma_start3A_73 : memref<20000xf32, #tpu.memory_space<hbm>>) target_semaphore(%arg4 : memref<!tpu.dma_semaphore, #tpu.memory_space<semaphore_mem>>)
    %add3A_74 = arith.constant 200000 : i32
    %add3A_75 = arith.addi %mul3A_34, %add3A_74 : i32
    %dma_start3A_76 = tpu.memref_slice %arg2[%add3A_75] : memref<12800000xf32, #tpu.memory_space<hbm>> -> memref<20000xf32, #tpu.memory_space<hbm>>
    %dma_start3A_77 = tpu.memref_slice %arg2[%add3A_75] : memref<12800000xf32, #tpu.memory_space<hbm>> -> memref<20000xf32, #tpu.memory_space<hbm>>
    tpu.enqueue_dma source(%arg3 : memref<20000xf32, #tpu.memory_space<vmem>>) target(%dma_start3A_77 : memref<20000xf32, #tpu.memory_space<hbm>>) target_semaphore(%arg4 : memref<!tpu.dma_semaphore, #tpu.memory_space<semaphore_mem>>)
    %add3A_78 = arith.constant 220000 : i32
    %add3A_79 = arith.addi %mul3A_34, %add3A_78 : i32
    %dma_start3A_80 = tpu.memref_slice %arg2[%add3A_79] : memref<12800000xf32, #tpu.memory_space<hbm>> -> memref<20000xf32, #tpu.memory_space<hbm>>
    %dma_start3A_81 = tpu.memref_slice %arg2[%add3A_79] : memref<12800000xf32, #tpu.memory_space<hbm>> -> memref<20000xf32, #tpu.memory_space<hbm>>
    tpu.enqueue_dma source(%arg3 : memref<20000xf32, #tpu.memory_space<vmem>>) target(%dma_start3A_81 : memref<20000xf32, #tpu.memory_space<hbm>>) target_semaphore(%arg4 : memref<!tpu.dma_semaphore, #tpu.memory_space<semaphore_mem>>)
    %add3A_82 = arith.constant 240000 : i32
    %add3A_83 = arith.addi %mul3A_34, %add3A_82 : i32
    %dma_start3A_84 = tpu.memref_slice %arg2[%add3A_83] : memref<12800000xf32, #tpu.memory_space<hbm>> -> memref<20000xf32, #tpu.memory_space<hbm>>
    %dma_start3A_85 = tpu.memref_slice %arg2[%add3A_83] : memref<12800000xf32, #tpu.memory_space<hbm>> -> memref<20000xf32, #tpu.memory_space<hbm>>
    tpu.enqueue_dma source(%arg3 : memref<20000xf32, #tpu.memory_space<vmem>>) target(%dma_start3A_85 : memref<20000xf32, #tpu.memory_space<hbm>>) target_semaphore(%arg4 : memref<!tpu.dma_semaphore, #tpu.memory_space<semaphore_mem>>)
    %add3A_86 = arith.constant 260000 : i32
    %add3A_87 = arith.addi %mul3A_34, %add3A_86 : i32
    %dma_start3A_88 = tpu.memref_slice %arg2[%add3A_87] : memref<12800000xf32, #tpu.memory_space<hbm>> -> memref<20000xf32, #tpu.memory_space<hbm>>
    %dma_start3A_89 = tpu.memref_slice %arg2[%add3A_87] : memref<12800000xf32, #tpu.memory_space<hbm>> -> memref<20000xf32, #tpu.memory_space<hbm>>
    tpu.enqueue_dma source(%arg3 : memref<20000xf32, #tpu.memory_space<vmem>>) target(%dma_start3A_89 : memref<20000xf32, #tpu.memory_space<hbm>>) target_semaphore(%arg4 : memref<!tpu.dma_semaphore, #tpu.memory_space<semaphore_mem>>)
    %add3A_90 = arith.constant 280000 : i32
    %add3A_91 = arith.addi %mul3A_34, %add3A_90 : i32
    %dma_start3A_92 = tpu.memref_slice %arg2[%add3A_91] : memref<12800000xf32, #tpu.memory_space<hbm>> -> memref<20000xf32, #tpu.memory_space<hbm>>
    %dma_start3A_93 = tpu.memref_slice %arg2[%add3A_91] : memref<12800000xf32, #tpu.memory_space<hbm>> -> memref<20000xf32, #tpu.memory_space<hbm>>
    tpu.enqueue_dma source(%arg3 : memref<20000xf32, #tpu.memory_space<vmem>>) target(%dma_start3A_93 : memref<20000xf32, #tpu.memory_space<hbm>>) target_semaphore(%arg4 : memref<!tpu.dma_semaphore, #tpu.memory_space<semaphore_mem>>)
    %add3A_94 = arith.constant 300000 : i32
    %add3A_95 = arith.addi %mul3A_34, %add3A_94 : i32
    %dma_start3A_96 = tpu.memref_slice %arg2[%add3A_95] : memref<12800000xf32, #tpu.memory_space<hbm>> -> memref<20000xf32, #tpu.memory_space<hbm>>
    %dma_start3A_97 = tpu.memref_slice %arg2[%add3A_95] : memref<12800000xf32, #tpu.memory_space<hbm>> -> memref<20000xf32, #tpu.memory_space<hbm>>
    tpu.enqueue_dma source(%arg3 : memref<20000xf32, #tpu.memory_space<vmem>>) target(%dma_start3A_97 : memref<20000xf32, #tpu.memory_space<hbm>>) target_semaphore(%arg4 : memref<!tpu.dma_semaphore, #tpu.memory_space<semaphore_mem>>)
    %add3A_98 = arith.constant 320000 : i32
    %add3A_99 = arith.addi %mul3A_34, %add3A_98 : i32
    %dma_start3A_100 = tpu.memref_slice %arg2[%add3A_99] : memref<12800000xf32, #tpu.memory_space<hbm>> -> memref<20000xf32, #tpu.memory_space<hbm>>
    %dma_start3A_101 = tpu.memref_slice %arg2[%add3A_99] : memref<12800000xf32, #tpu.memory_space<hbm>> -> memref<20000xf32, #tpu.memory_space<hbm>>
    tpu.enqueue_dma source(%arg3 : memref<20000xf32, #tpu.memory_space<vmem>>) target(%dma_start3A_101 : memref<20000xf32, #tpu.memory_space<hbm>>) target_semaphore(%arg4 : memref<!tpu.dma_semaphore, #tpu.memory_space<semaphore_mem>>)
    %add3A_102 = arith.constant 340000 : i32
    %add3A_103 = arith.addi %mul3A_34, %add3A_102 : i32
    %dma_start3A_104 = tpu.memref_slice %arg2[%add3A_103] : memref<12800000xf32, #tpu.memory_space<hbm>> -> memref<20000xf32, #tpu.memory_space<hbm>>
    %dma_start3A_105 = tpu.memref_slice %arg2[%add3A_103] : memref<12800000xf32, #tpu.memory_space<hbm>> -> memref<20000xf32, #tpu.memory_space<hbm>>
    tpu.enqueue_dma source(%arg3 : memref<20000xf32, #tpu.memory_space<vmem>>) target(%dma_start3A_105 : memref<20000xf32, #tpu.memory_space<hbm>>) target_semaphore(%arg4 : memref<!tpu.dma_semaphore, #tpu.memory_space<semaphore_mem>>)
    %add3A_106 = arith.constant 360000 : i32
    %add3A_107 = arith.addi %mul3A_34, %add3A_106 : i32
    %dma_start3A_108 = tpu.memref_slice %arg2[%add3A_107] : memref<12800000xf32, #tpu.memory_space<hbm>> -> memref<20000xf32, #tpu.memory_space<hbm>>
    %dma_start3A_109 = tpu.memref_slice %arg2[%add3A_107] : memref<12800000xf32, #tpu.memory_space<hbm>> -> memref<20000xf32, #tpu.memory_space<hbm>>
    tpu.enqueue_dma source(%arg3 : memref<20000xf32, #tpu.memory_space<vmem>>) target(%dma_start3A_109 : memref<20000xf32, #tpu.memory_space<hbm>>) target_semaphore(%arg4 : memref<!tpu.dma_semaphore, #tpu.memory_space<semaphore_mem>>)
    %add3A_110 = arith.constant 380000 : i32
    %add3A_111 = arith.addi %mul3A_34, %add3A_110 : i32
    %dma_start3A_112 = tpu.memref_slice %arg2[%add3A_111] : memref<12800000xf32, #tpu.memory_space<hbm>> -> memref<20000xf32, #tpu.memory_space<hbm>>
    %dma_start3A_113 = tpu.memref_slice %arg2[%add3A_111] : memref<12800000xf32, #tpu.memory_space<hbm>> -> memref<20000xf32, #tpu.memory_space<hbm>>
    tpu.enqueue_dma source(%arg3 : memref<20000xf32, #tpu.memory_space<vmem>>) target(%dma_start3A_113 : memref<20000xf32, #tpu.memory_space<hbm>>) target_semaphore(%arg4 : memref<!tpu.dma_semaphore, #tpu.memory_space<semaphore_mem>>)
    %dma_wait3A = tpu.memref_slice %arg2[%add3A_36] : memref<12800000xf32, #tpu.memory_space<hbm>> -> memref<20000xf32, #tpu.memory_space<hbm>>
    %dma_wait3A_114 = tpu.memref_slice %arg2[%add3A_36] : memref<12800000xf32, #tpu.memory_space<hbm>> -> memref<20000xf32, #tpu.memory_space<hbm>>
    tpu.wait_dma2 semaphore(%arg4 : memref<!tpu.dma_semaphore, #tpu.memory_space<semaphore_mem>>) src(%arg3 : memref<20000xf32, #tpu.memory_space<vmem>>) dst(%dma_wait3A_114 : memref<20000xf32, #tpu.memory_space<hbm>>)
    %dma_wait3A_115 = tpu.memref_slice %arg2[%add3A_39] : memref<12800000xf32, #tpu.memory_space<hbm>> -> memref<20000xf32, #tpu.memory_space<hbm>>
    %dma_wait3A_116 = tpu.memref_slice %arg2[%add3A_39] : memref<12800000xf32, #tpu.memory_space<hbm>> -> memref<20000xf32, #tpu.memory_space<hbm>>
    tpu.wait_dma2 semaphore(%arg4 : memref<!tpu.dma_semaphore, #tpu.memory_space<semaphore_mem>>) src(%arg3 : memref<20000xf32, #tpu.memory_space<vmem>>) dst(%dma_wait3A_116 : memref<20000xf32, #tpu.memory_space<hbm>>)
    %dma_wait3A_117 = tpu.memref_slice %arg2[%add3A_43] : memref<12800000xf32, #tpu.memory_space<hbm>> -> memref<20000xf32, #tpu.memory_space<hbm>>
    %dma_wait3A_118 = tpu.memref_slice %arg2[%add3A_43] : memref<12800000xf32, #tpu.memory_space<hbm>> -> memref<20000xf32, #tpu.memory_space<hbm>>
    tpu.wait_dma2 semaphore(%arg4 : memref<!tpu.dma_semaphore, #tpu.memory_space<semaphore_mem>>) src(%arg3 : memref<20000xf32, #tpu.memory_space<vmem>>) dst(%dma_wait3A_118 : memref<20000xf32, #tpu.memory_space<hbm>>)
    %dma_wait3A_119 = tpu.memref_slice %arg2[%add3A_47] : memref<12800000xf32, #tpu.memory_space<hbm>> -> memref<20000xf32, #tpu.memory_space<hbm>>
    %dma_wait3A_120 = tpu.memref_slice %arg2[%add3A_47] : memref<12800000xf32, #tpu.memory_space<hbm>> -> memref<20000xf32, #tpu.memory_space<hbm>>
    tpu.wait_dma2 semaphore(%arg4 : memref<!tpu.dma_semaphore, #tpu.memory_space<semaphore_mem>>) src(%arg3 : memref<20000xf32, #tpu.memory_space<vmem>>) dst(%dma_wait3A_120 : memref<20000xf32, #tpu.memory_space<hbm>>)
    %dma_wait3A_121 = tpu.memref_slice %arg2[%add3A_51] : memref<12800000xf32, #tpu.memory_space<hbm>> -> memref<20000xf32, #tpu.memory_space<hbm>>
    %dma_wait3A_122 = tpu.memref_slice %arg2[%add3A_51] : memref<12800000xf32, #tpu.memory_space<hbm>> -> memref<20000xf32, #tpu.memory_space<hbm>>
    tpu.wait_dma2 semaphore(%arg4 : memref<!tpu.dma_semaphore, #tpu.memory_space<semaphore_mem>>) src(%arg3 : memref<20000xf32, #tpu.memory_space<vmem>>) dst(%dma_wait3A_122 : memref<20000xf32, #tpu.memory_space<hbm>>)
    %dma_wait3A_123 = tpu.memref_slice %arg2[%add3A_55] : memref<12800000xf32, #tpu.memory_space<hbm>> -> memref<20000xf32, #tpu.memory_space<hbm>>
    %dma_wait3A_124 = tpu.memref_slice %arg2[%add3A_55] : memref<12800000xf32, #tpu.memory_space<hbm>> -> memref<20000xf32, #tpu.memory_space<hbm>>
    tpu.wait_dma2 semaphore(%arg4 : memref<!tpu.dma_semaphore, #tpu.memory_space<semaphore_mem>>) src(%arg3 : memref<20000xf32, #tpu.memory_space<vmem>>) dst(%dma_wait3A_124 : memref<20000xf32, #tpu.memory_space<hbm>>)
    %dma_wait3A_125 = tpu.memref_slice %arg2[%add3A_59] : memref<12800000xf32, #tpu.memory_space<hbm>> -> memref<20000xf32, #tpu.memory_space<hbm>>
    %dma_wait3A_126 = tpu.memref_slice %arg2[%add3A_59] : memref<12800000xf32, #tpu.memory_space<hbm>> -> memref<20000xf32, #tpu.memory_space<hbm>>
    tpu.wait_dma2 semaphore(%arg4 : memref<!tpu.dma_semaphore, #tpu.memory_space<semaphore_mem>>) src(%arg3 : memref<20000xf32, #tpu.memory_space<vmem>>) dst(%dma_wait3A_126 : memref<20000xf32, #tpu.memory_space<hbm>>)
    %dma_wait3A_127 = tpu.memref_slice %arg2[%add3A_63] : memref<12800000xf32, #tpu.memory_space<hbm>> -> memref<20000xf32, #tpu.memory_space<hbm>>
    %dma_wait3A_128 = tpu.memref_slice %arg2[%add3A_63] : memref<12800000xf32, #tpu.memory_space<hbm>> -> memref<20000xf32, #tpu.memory_space<hbm>>
    tpu.wait_dma2 semaphore(%arg4 : memref<!tpu.dma_semaphore, #tpu.memory_space<semaphore_mem>>) src(%arg3 : memref<20000xf32, #tpu.memory_space<vmem>>) dst(%dma_wait3A_128 : memref<20000xf32, #tpu.memory_space<hbm>>)
    %dma_wait3A_129 = tpu.memref_slice %arg2[%add3A_67] : memref<12800000xf32, #tpu.memory_space<hbm>> -> memref<20000xf32, #tpu.memory_space<hbm>>
    %dma_wait3A_130 = tpu.memref_slice %arg2[%add3A_67] : memref<12800000xf32, #tpu.memory_space<hbm>> -> memref<20000xf32, #tpu.memory_space<hbm>>
    tpu.wait_dma2 semaphore(%arg4 : memref<!tpu.dma_semaphore, #tpu.memory_space<semaphore_mem>>) src(%arg3 : memref<20000xf32, #tpu.memory_space<vmem>>) dst(%dma_wait3A_130 : memref<20000xf32, #tpu.memory_space<hbm>>)
    %dma_wait3A_131 = tpu.memref_slice %arg2[%add3A_71] : memref<12800000xf32, #tpu.memory_space<hbm>> -> memref<20000xf32, #tpu.memory_space<hbm>>
    %dma_wait3A_132 = tpu.memref_slice %arg2[%add3A_71] : memref<12800000xf32, #tpu.memory_space<hbm>> -> memref<20000xf32, #tpu.memory_space<hbm>>
    tpu.wait_dma2 semaphore(%arg4 : memref<!tpu.dma_semaphore, #tpu.memory_space<semaphore_mem>>) src(%arg3 : memref<20000xf32, #tpu.memory_space<vmem>>) dst(%dma_wait3A_132 : memref<20000xf32, #tpu.memory_space<hbm>>)
    %dma_wait3A_133 = tpu.memref_slice %arg2[%add3A_75] : memref<12800000xf32, #tpu.memory_space<hbm>> -> memref<20000xf32, #tpu.memory_space<hbm>>
    %dma_wait3A_134 = tpu.memref_slice %arg2[%add3A_75] : memref<12800000xf32, #tpu.memory_space<hbm>> -> memref<20000xf32, #tpu.memory_space<hbm>>
    tpu.wait_dma2 semaphore(%arg4 : memref<!tpu.dma_semaphore, #tpu.memory_space<semaphore_mem>>) src(%arg3 : memref<20000xf32, #tpu.memory_space<vmem>>) dst(%dma_wait3A_134 : memref<20000xf32, #tpu.memory_space<hbm>>)
    %dma_wait3A_135 = tpu.memref_slice %arg2[%add3A_79] : memref<12800000xf32, #tpu.memory_space<hbm>> -> memref<20000xf32, #tpu.memory_space<hbm>>
    %dma_wait3A_136 = tpu.memref_slice %arg2[%add3A_79] : memref<12800000xf32, #tpu.memory_space<hbm>> -> memref<20000xf32, #tpu.memory_space<hbm>>
    tpu.wait_dma2 semaphore(%arg4 : memref<!tpu.dma_semaphore, #tpu.memory_space<semaphore_mem>>) src(%arg3 : memref<20000xf32, #tpu.memory_space<vmem>>) dst(%dma_wait3A_136 : memref<20000xf32, #tpu.memory_space<hbm>>)
    %dma_wait3A_137 = tpu.memref_slice %arg2[%add3A_83] : memref<12800000xf32, #tpu.memory_space<hbm>> -> memref<20000xf32, #tpu.memory_space<hbm>>
    %dma_wait3A_138 = tpu.memref_slice %arg2[%add3A_83] : memref<12800000xf32, #tpu.memory_space<hbm>> -> memref<20000xf32, #tpu.memory_space<hbm>>
    tpu.wait_dma2 semaphore(%arg4 : memref<!tpu.dma_semaphore, #tpu.memory_space<semaphore_mem>>) src(%arg3 : memref<20000xf32, #tpu.memory_space<vmem>>) dst(%dma_wait3A_138 : memref<20000xf32, #tpu.memory_space<hbm>>)
    %dma_wait3A_139 = tpu.memref_slice %arg2[%add3A_87] : memref<12800000xf32, #tpu.memory_space<hbm>> -> memref<20000xf32, #tpu.memory_space<hbm>>
    %dma_wait3A_140 = tpu.memref_slice %arg2[%add3A_87] : memref<12800000xf32, #tpu.memory_space<hbm>> -> memref<20000xf32, #tpu.memory_space<hbm>>
    tpu.wait_dma2 semaphore(%arg4 : memref<!tpu.dma_semaphore, #tpu.memory_space<semaphore_mem>>) src(%arg3 : memref<20000xf32, #tpu.memory_space<vmem>>) dst(%dma_wait3A_140 : memref<20000xf32, #tpu.memory_space<hbm>>)
    %dma_wait3A_141 = tpu.memref_slice %arg2[%add3A_91] : memref<12800000xf32, #tpu.memory_space<hbm>> -> memref<20000xf32, #tpu.memory_space<hbm>>
    %dma_wait3A_142 = tpu.memref_slice %arg2[%add3A_91] : memref<12800000xf32, #tpu.memory_space<hbm>> -> memref<20000xf32, #tpu.memory_space<hbm>>
    tpu.wait_dma2 semaphore(%arg4 : memref<!tpu.dma_semaphore, #tpu.memory_space<semaphore_mem>>) src(%arg3 : memref<20000xf32, #tpu.memory_space<vmem>>) dst(%dma_wait3A_142 : memref<20000xf32, #tpu.memory_space<hbm>>)
    %dma_wait3A_143 = tpu.memref_slice %arg2[%add3A_95] : memref<12800000xf32, #tpu.memory_space<hbm>> -> memref<20000xf32, #tpu.memory_space<hbm>>
    %dma_wait3A_144 = tpu.memref_slice %arg2[%add3A_95] : memref<12800000xf32, #tpu.memory_space<hbm>> -> memref<20000xf32, #tpu.memory_space<hbm>>
    tpu.wait_dma2 semaphore(%arg4 : memref<!tpu.dma_semaphore, #tpu.memory_space<semaphore_mem>>) src(%arg3 : memref<20000xf32, #tpu.memory_space<vmem>>) dst(%dma_wait3A_144 : memref<20000xf32, #tpu.memory_space<hbm>>)
    %dma_wait3A_145 = tpu.memref_slice %arg2[%add3A_99] : memref<12800000xf32, #tpu.memory_space<hbm>> -> memref<20000xf32, #tpu.memory_space<hbm>>
    %dma_wait3A_146 = tpu.memref_slice %arg2[%add3A_99] : memref<12800000xf32, #tpu.memory_space<hbm>> -> memref<20000xf32, #tpu.memory_space<hbm>>
    tpu.wait_dma2 semaphore(%arg4 : memref<!tpu.dma_semaphore, #tpu.memory_space<semaphore_mem>>) src(%arg3 : memref<20000xf32, #tpu.memory_space<vmem>>) dst(%dma_wait3A_146 : memref<20000xf32, #tpu.memory_space<hbm>>)
    %dma_wait3A_147 = tpu.memref_slice %arg2[%add3A_103] : memref<12800000xf32, #tpu.memory_space<hbm>> -> memref<20000xf32, #tpu.memory_space<hbm>>
    %dma_wait3A_148 = tpu.memref_slice %arg2[%add3A_103] : memref<12800000xf32, #tpu.memory_space<hbm>> -> memref<20000xf32, #tpu.memory_space<hbm>>
    tpu.wait_dma2 semaphore(%arg4 : memref<!tpu.dma_semaphore, #tpu.memory_space<semaphore_mem>>) src(%arg3 : memref<20000xf32, #tpu.memory_space<vmem>>) dst(%dma_wait3A_148 : memref<20000xf32, #tpu.memory_space<hbm>>)
    %dma_wait3A_149 = tpu.memref_slice %arg2[%add3A_107] : memref<12800000xf32, #tpu.memory_space<hbm>> -> memref<20000xf32, #tpu.memory_space<hbm>>
    %dma_wait3A_150 = tpu.memref_slice %arg2[%add3A_107] : memref<12800000xf32, #tpu.memory_space<hbm>> -> memref<20000xf32, #tpu.memory_space<hbm>>
    tpu.wait_dma2 semaphore(%arg4 : memref<!tpu.dma_semaphore, #tpu.memory_space<semaphore_mem>>) src(%arg3 : memref<20000xf32, #tpu.memory_space<vmem>>) dst(%dma_wait3A_150 : memref<20000xf32, #tpu.memory_space<hbm>>)
    %dma_wait3A_151 = tpu.memref_slice %arg2[%add3A_111] : memref<12800000xf32, #tpu.memory_space<hbm>> -> memref<20000xf32, #tpu.memory_space<hbm>>
    %dma_wait3A_152 = tpu.memref_slice %arg2[%add3A_111] : memref<12800000xf32, #tpu.memory_space<hbm>> -> memref<20000xf32, #tpu.memory_space<hbm>>
    tpu.wait_dma2 semaphore(%arg4 : memref<!tpu.dma_semaphore, #tpu.memory_space<semaphore_mem>>) src(%arg3 : memref<20000xf32, #tpu.memory_space<vmem>>) dst(%dma_wait3A_152 : memref<20000xf32, #tpu.memory_space<hbm>>)
    return
  }
}

#map = affine_map<(d0, d1) -> (0)>
module attributes {stable_mosaic.version = 14 : i64} {
  func.func @new_body(%arg0: i32, %arg1: i32, %arg2: memref<12800000xf32, #tpu.memory_space<hbm>>, %arg3: memref<128xi32, #tpu.memory_space<hbm>>, %arg4: memref<12800000xf32, #tpu.memory_space<hbm>>, %arg5: memref<128xi32, #tpu.memory_space<vmem>>, %arg6: memref<128xf32, #tpu.memory_space<vmem>>, %arg7: memref<!tpu.dma_semaphore, #tpu.memory_space<semaphore_mem>>) attributes {dimension_semantics = [#tpu.dimension_semantics<core_parallel>, #tpu.dimension_semantics<subcore_parallel>], iteration_bounds = array<i64: 2, 16>, scalar_prefetch = 0 : i64, scratch_operands = 3 : i64, tpu.core_type = #tpu.core_type<sc_vector_subcore>, window_params = [{transform_indices = #map}, {transform_indices = #map}, {transform_indices = #map}]} {
    %eq3A = arith.constant 0 : i32
    %eq3A_0 = arith.cmpi eq, %arg0, %eq3A : i32
    %eq3A_1 = arith.constant 0 : i32
    %eq3A_2 = arith.cmpi eq, %arg1, %eq3A_1 : i32
    %and3A = arith.andi %eq3A_0, %eq3A_2 : i1
    %convert_element_type3A = arith.extui %and3A : i1 to i32
    %cond3A = arith.constant 0 : i32
    %cond3A_3 = arith.cmpi ne, %convert_element_type3A, %cond3A : i32
    scf.if %cond3A_3 {
      "tpu.region"() ({
        %run_scoped3A = tpu.sem_alloc : memref<!tpu.dma_semaphore, #tpu.memory_space<semaphore_mem>>
        tpu.enqueue_dma source(%arg3 : memref<128xi32, #tpu.memory_space<hbm>>) target(%arg5 : memref<128xi32, #tpu.memory_space<vmem>>) target_semaphore(%run_scoped3A : memref<!tpu.dma_semaphore, #tpu.memory_space<semaphore_mem>>)
        tpu.wait_dma2 semaphore(%run_scoped3A : memref<!tpu.dma_semaphore, #tpu.memory_space<semaphore_mem>>) src(%arg3 : memref<128xi32, #tpu.memory_space<hbm>>) dst(%arg5 : memref<128xi32, #tpu.memory_space<vmem>>)
        tpu.yield
      }) : () -> ()
      %broadcast_in_dim3A = arith.constant 1.000000e+00 : f32
      %broadcast_in_dim3A_4 = vector.broadcast %broadcast_in_dim3A : f32 to vector<16xf32>
      %swap3A = arith.constant 0 : index
      %swap3A_5 = tpu.vector_load %arg6[%swap3A] {strides = array<i32>} : memref<128xf32, #tpu.memory_space<vmem>>, vector<16xf32>,
      %swap3A_6 = vector.shape_cast %swap3A_5 : vector<16xf32> to vector<16xf32>
      %swap3A_7 = vector.shape_cast %broadcast_in_dim3A_4 : vector<16xf32> to vector<16xf32>
      tpu.vector_store %arg6[%swap3A], %swap3A_7 {strides = array<i32>} : memref<128xf32, #tpu.memory_space<vmem>>, vector<16xf32>,
      %broadcast_in_dim3A_8 = arith.constant 1.000000e+00 : f32
      %broadcast_in_dim3A_9 = vector.broadcast %broadcast_in_dim3A_8 : f32 to vector<16xf32>
      %swap3A_10 = arith.constant 16 : index
      %swap3A_11 = tpu.vector_load %arg6[%swap3A_10] {strides = array<i32>} : memref<128xf32, #tpu.memory_space<vmem>>, vector<16xf32>,
      %swap3A_12 = vector.shape_cast %swap3A_11 : vector<16xf32> to vector<16xf32>
      %swap3A_13 = vector.shape_cast %broadcast_in_dim3A_9 : vector<16xf32> to vector<16xf32>
      tpu.vector_store %arg6[%swap3A_10], %swap3A_13 {strides = array<i32>} : memref<128xf32, #tpu.memory_space<vmem>>, vector<16xf32>,
      %broadcast_in_dim3A_14 = arith.constant 1.000000e+00 : f32
      %broadcast_in_dim3A_15 = vector.broadcast %broadcast_in_dim3A_14 : f32 to vector<16xf32>
      %swap3A_16 = arith.constant 32 : index
      %swap3A_17 = tpu.vector_load %arg6[%swap3A_16] {strides = array<i32>} : memref<128xf32, #tpu.memory_space<vmem>>, vector<16xf32>,
      %swap3A_18 = vector.shape_cast %swap3A_17 : vector<16xf32> to vector<16xf32>
      %swap3A_19 = vector.shape_cast %broadcast_in_dim3A_15 : vector<16xf32> to vector<16xf32>
      tpu.vector_store %arg6[%swap3A_16], %swap3A_19 {strides = array<i32>} : memref<128xf32, #tpu.memory_space<vmem>>, vector<16xf32>,
      %broadcast_in_dim3A_20 = arith.constant 1.000000e+00 : f32
      %broadcast_in_dim3A_21 = vector.broadcast %broadcast_in_dim3A_20 : f32 to vector<16xf32>
      %swap3A_22 = arith.constant 48 : index
      %swap3A_23 = tpu.vector_load %arg6[%swap3A_22] {strides = array<i32>} : memref<128xf32, #tpu.memory_space<vmem>>, vector<16xf32>,
      %swap3A_24 = vector.shape_cast %swap3A_23 : vector<16xf32> to vector<16xf32>
      %swap3A_25 = vector.shape_cast %broadcast_in_dim3A_21 : vector<16xf32> to vector<16xf32>
      tpu.vector_store %arg6[%swap3A_22], %swap3A_25 {strides = array<i32>} : memref<128xf32, #tpu.memory_space<vmem>>, vector<16xf32>,
      %broadcast_in_dim3A_26 = arith.constant 1.000000e+00 : f32
      %broadcast_in_dim3A_27 = vector.broadcast %broadcast_in_dim3A_26 : f32 to vector<16xf32>
      %swap3A_28 = arith.constant 64 : index
      %swap3A_29 = tpu.vector_load %arg6[%swap3A_28] {strides = array<i32>} : memref<128xf32, #tpu.memory_space<vmem>>, vector<16xf32>,
      %swap3A_30 = vector.shape_cast %swap3A_29 : vector<16xf32> to vector<16xf32>
      %swap3A_31 = vector.shape_cast %broadcast_in_dim3A_27 : vector<16xf32> to vector<16xf32>
      tpu.vector_store %arg6[%swap3A_28], %swap3A_31 {strides = array<i32>} : memref<128xf32, #tpu.memory_space<vmem>>, vector<16xf32>,
      %broadcast_in_dim3A_32 = arith.constant 1.000000e+00 : f32
      %broadcast_in_dim3A_33 = vector.broadcast %broadcast_in_dim3A_32 : f32 to vector<16xf32>
      %swap3A_34 = arith.constant 80 : index
      %swap3A_35 = tpu.vector_load %arg6[%swap3A_34] {strides = array<i32>} : memref<128xf32, #tpu.memory_space<vmem>>, vector<16xf32>,
      %swap3A_36 = vector.shape_cast %swap3A_35 : vector<16xf32> to vector<16xf32>
      %swap3A_37 = vector.shape_cast %broadcast_in_dim3A_33 : vector<16xf32> to vector<16xf32>
      tpu.vector_store %arg6[%swap3A_34], %swap3A_37 {strides = array<i32>} : memref<128xf32, #tpu.memory_space<vmem>>, vector<16xf32>,
      %broadcast_in_dim3A_38 = arith.constant 1.000000e+00 : f32
      %broadcast_in_dim3A_39 = vector.broadcast %broadcast_in_dim3A_38 : f32 to vector<16xf32>
      %swap3A_40 = arith.constant 96 : index
      %swap3A_41 = tpu.vector_load %arg6[%swap3A_40] {strides = array<i32>} : memref<128xf32, #tpu.memory_space<vmem>>, vector<16xf32>,
      %swap3A_42 = vector.shape_cast %swap3A_41 : vector<16xf32> to vector<16xf32>
      %swap3A_43 = vector.shape_cast %broadcast_in_dim3A_39 : vector<16xf32> to vector<16xf32>
      tpu.vector_store %arg6[%swap3A_40], %swap3A_43 {strides = array<i32>} : memref<128xf32, #tpu.memory_space<vmem>>, vector<16xf32>,
      %broadcast_in_dim3A_44 = arith.constant 1.000000e+00 : f32
      %broadcast_in_dim3A_45 = vector.broadcast %broadcast_in_dim3A_44 : f32 to vector<16xf32>
      %swap3A_46 = arith.constant 112 : index
      %swap3A_47 = tpu.vector_load %arg6[%swap3A_46] {strides = array<i32>} : memref<128xf32, #tpu.memory_space<vmem>>, vector<16xf32>,
      %swap3A_48 = vector.shape_cast %swap3A_47 : vector<16xf32> to vector<16xf32>
      %swap3A_49 = vector.shape_cast %broadcast_in_dim3A_45 : vector<16xf32> to vector<16xf32>
      tpu.vector_store %arg6[%swap3A_46], %swap3A_49 {strides = array<i32>} : memref<128xf32, #tpu.memory_space<vmem>>, vector<16xf32>,
      %dma_start3A = arith.constant 0 : i32
      %dma_start3A_50 = tpu.memref_slice %arg2[%dma_start3A] : memref<12800000xf32, #tpu.memory_space<hbm>> -> memref<12800000xf32, #tpu.memory_space<hbm>>
      tpu.enqueue_indirect_dma source(%arg6 : memref<128xf32, #tpu.memory_space<vmem>>) target(%dma_start3A_50 : memref<12800000xf32, #tpu.memory_space<hbm>>) offsets(%arg5 : memref<128xi32, #tpu.memory_space<vmem>>) semaphore(%arg7 : memref<!tpu.dma_semaphore, #tpu.memory_space<semaphore_mem>>)
      %dma_wait3A = arith.constant 0 : i32
      %dma_wait3A_51 = tpu.memref_slice %arg2[%dma_wait3A] : memref<12800000xf32, #tpu.memory_space<hbm>> -> memref<12800000xf32, #tpu.memory_space<hbm>>
      tpu.wait_indirect_dma semaphore(%arg7 : memref<!tpu.dma_semaphore, #tpu.memory_space<semaphore_mem>>) src(%arg6 : memref<128xf32, #tpu.memory_space<vmem>>) dst(%dma_wait3A_51 : memref<12800000xf32, #tpu.memory_space<hbm>>)
    } else {
    }
    return
  }
}

module attributes {stable_mosaic.version = 14 : i64} {
  func.func @_tc_argmax_body(%arg0: memref<128x100000xf32, #tpu.memory_space<any>>, %arg1: memref<128x1xi32, #tpu.memory_space<any>>, %arg2: memref<3x16x100000xf32, #tpu.memory_space<vmem>>, %arg3: memref<128x1xi32, #tpu.memory_space<vmem>>, %arg4: memref<3x!tpu.dma_semaphore, #tpu.memory_space<semaphore_mem>>, %arg5: memref<!tpu.dma_semaphore, #tpu.memory_space<semaphore_mem>>) attributes {dimension_semantics = [], scalar_prefetch = 0 : i64, scratch_operands = 4 : i64, tpu.core_type = #tpu.core_type<tc>} {
    %dma_start3A = arith.constant 0 : i32
    %dma_start3A_0 = arith.constant 0 : i32
    %dma_start3A_1 = tpu.memref_slice %arg4[%dma_start3A_0] : memref<3x!tpu.dma_semaphore, #tpu.memory_space<semaphore_mem>> -> memref<1x!tpu.dma_semaphore, #tpu.memory_space<semaphore_mem>>
    %dma_start3A_2 = tpu.memref_squeeze %dma_start3A_1 : memref<1x!tpu.dma_semaphore, #tpu.memory_space<semaphore_mem>> -> memref<!tpu.dma_semaphore, #tpu.memory_space<semaphore_mem>>
    %dma_start3A_3 = arith.constant 0 : i32
    %dma_start3A_4 = arith.constant 0 : i32
    %dma_start3A_5 = tpu.memref_slice %arg2[%dma_start3A, %dma_start3A_3, %dma_start3A_4] : memref<3x16x100000xf32, #tpu.memory_space<vmem>> -> memref<1x16x100000xf32, #tpu.memory_space<vmem>>
    %dma_start3A_6 = tpu.memref_squeeze %dma_start3A_5 : memref<1x16x100000xf32, #tpu.memory_space<vmem>> -> memref<16x100000xf32, #tpu.memory_space<vmem>>
    %dma_start3A_7 = arith.constant 0 : i32
    %dma_start3A_8 = arith.constant 0 : i32
    %dma_start3A_9 = tpu.memref_slice %arg0[%dma_start3A_7, %dma_start3A_8] : memref<128x100000xf32, #tpu.memory_space<any>> -> memref<16x100000xf32, #tpu.memory_space<any>>
    tpu.enqueue_dma source(%dma_start3A_9 : memref<16x100000xf32, #tpu.memory_space<any>>) target(%dma_start3A_6 : memref<16x100000xf32, #tpu.memory_space<vmem>>) target_semaphore(%dma_start3A_2 : memref<!tpu.dma_semaphore, #tpu.memory_space<semaphore_mem>>)
    %dma_start3A_10 = arith.constant 1 : i32
    %dma_start3A_11 = arith.constant 1 : i32
    %dma_start3A_12 = tpu.memref_slice %arg4[%dma_start3A_11] : memref<3x!tpu.dma_semaphore, #tpu.memory_space<semaphore_mem>> -> memref<1x!tpu.dma_semaphore, #tpu.memory_space<semaphore_mem>>
    %dma_start3A_13 = tpu.memref_squeeze %dma_start3A_12 : memref<1x!tpu.dma_semaphore, #tpu.memory_space<semaphore_mem>> -> memref<!tpu.dma_semaphore, #tpu.memory_space<semaphore_mem>>
    %dma_start3A_14 = arith.constant 0 : i32
    %dma_start3A_15 = arith.constant 0 : i32
    %dma_start3A_16 = tpu.memref_slice %arg2[%dma_start3A_10, %dma_start3A_14, %dma_start3A_15] : memref<3x16x100000xf32, #tpu.memory_space<vmem>> -> memref<1x16x100000xf32, #tpu.memory_space<vmem>>
    %dma_start3A_17 = tpu.memref_squeeze %dma_start3A_16 : memref<1x16x100000xf32, #tpu.memory_space<vmem>> -> memref<16x100000xf32, #tpu.memory_space<vmem>>
    %dma_start3A_18 = arith.constant 16 : i32
    %dma_start3A_19 = arith.constant 0 : i32
    %dma_start3A_20 = tpu.memref_slice %arg0[%dma_start3A_18, %dma_start3A_19] : memref<128x100000xf32, #tpu.memory_space<any>> -> memref<16x100000xf32, #tpu.memory_space<any>>
    tpu.enqueue_dma source(%dma_start3A_20 : memref<16x100000xf32, #tpu.memory_space<any>>) target(%dma_start3A_17 : memref<16x100000xf32, #tpu.memory_space<vmem>>) target_semaphore(%dma_start3A_13 : memref<!tpu.dma_semaphore, #tpu.memory_space<semaphore_mem>>)
    %scan3A = arith.constant 0 : i32
    %scan3A_21 = arith.constant 8 : i32
    %scan3A_22 = arith.addi %scan3A, %scan3A_21 : i32
    %scan3A_23 = arith.constant 1 : i32
    scf.for %scan3A_25 = %scan3A to %scan3A_22 step %scan3A_23  : i32 {
      %rem3A = arith.constant 3 : i32
      %rem3A_26 = arith.remsi %scan3A_25, %rem3A : i32
      %mul3A = arith.constant 16 : i32
      %mul3A_27 = arith.muli %scan3A_25, %mul3A : i32
      %dma_wait3A = tpu.memref_slice %arg4[%rem3A_26] : memref<3x!tpu.dma_semaphore, #tpu.memory_space<semaphore_mem>> -> memref<1x!tpu.dma_semaphore, #tpu.memory_space<semaphore_mem>>
      %dma_wait3A_28 = tpu.memref_squeeze %dma_wait3A : memref<1x!tpu.dma_semaphore, #tpu.memory_space<semaphore_mem>> -> memref<!tpu.dma_semaphore, #tpu.memory_space<semaphore_mem>>
      %dma_wait3A_29 = arith.constant 0 : i32
      %dma_wait3A_30 = arith.constant 0 : i32
      %dma_wait3A_31 = tpu.memref_slice %arg2[%rem3A_26, %dma_wait3A_29, %dma_wait3A_30] : memref<3x16x100000xf32, #tpu.memory_space<vmem>> -> memref<1x16x100000xf32, #tpu.memory_space<vmem>>
      %dma_wait3A_32 = tpu.memref_squeeze %dma_wait3A_31 : memref<1x16x100000xf32, #tpu.memory_space<vmem>> -> memref<16x100000xf32, #tpu.memory_space<vmem>>
      %dma_wait3A_33 = arith.constant 0 : i32
      %dma_wait3A_34 = tpu.memref_slice %arg0[%mul3A_27, %dma_wait3A_33] : memref<128x100000xf32, #tpu.memory_space<any>> -> memref<16x100000xf32, #tpu.memory_space<any>>
      tpu.wait_dma2 semaphore(%dma_wait3A_28 : memref<!tpu.dma_semaphore, #tpu.memory_space<semaphore_mem>>) src(%dma_wait3A_34 : memref<16x100000xf32, #tpu.memory_space<any>>) dst(%dma_wait3A_32 : memref<16x100000xf32, #tpu.memory_space<vmem>>)
      %add3A = arith.constant 2 : i32
      %add3A_35 = arith.addi %scan3A_25, %add3A : i32
      %lt3A = arith.constant 8 : i32
      %lt3A_36 = arith.cmpi slt, %add3A_35, %lt3A : i32
      %convert_element_type3A = arith.extui %lt3A_36 : i1 to i32
      %cond3A = arith.constant 0 : i32
      %cond3A_37 = arith.cmpi ne, %convert_element_type3A, %cond3A : i32
      scf.if %cond3A_37 {
        %add3A_60 = arith.constant 2 : i32
        %add3A_61 = arith.addi %scan3A_25, %add3A_60 : i32
        %add3A_62 = arith.constant 2 : i32
        %add3A_63 = arith.addi %scan3A_25, %add3A_62 : i32
        %rem3A_64 = arith.constant 3 : i32
        %rem3A_65 = arith.remsi %add3A_63, %rem3A_64 : i32
        %mul3A_66 = arith.constant 16 : i32
        %mul3A_67 = arith.muli %add3A_61, %mul3A_66 : i32
        %dma_start3A_68 = tpu.memref_slice %arg4[%rem3A_65] : memref<3x!tpu.dma_semaphore, #tpu.memory_space<semaphore_mem>> -> memref<1x!tpu.dma_semaphore, #tpu.memory_space<semaphore_mem>>
        %dma_start3A_69 = tpu.memref_squeeze %dma_start3A_68 : memref<1x!tpu.dma_semaphore, #tpu.memory_space<semaphore_mem>> -> memref<!tpu.dma_semaphore, #tpu.memory_space<semaphore_mem>>
        %dma_start3A_70 = arith.constant 0 : i32
        %dma_start3A_71 = arith.constant 0 : i32
        %dma_start3A_72 = tpu.memref_slice %arg2[%rem3A_65, %dma_start3A_70, %dma_start3A_71] : memref<3x16x100000xf32, #tpu.memory_space<vmem>> -> memref<1x16x100000xf32, #tpu.memory_space<vmem>>
        %dma_start3A_73 = tpu.memref_squeeze %dma_start3A_72 : memref<1x16x100000xf32, #tpu.memory_space<vmem>> -> memref<16x100000xf32, #tpu.memory_space<vmem>>
        %dma_start3A_74 = arith.constant 0 : i32
        %dma_start3A_75 = tpu.memref_slice %arg0[%mul3A_67, %dma_start3A_74] : memref<128x100000xf32, #tpu.memory_space<any>> -> memref<16x100000xf32, #tpu.memory_space<any>>
        tpu.enqueue_dma source(%dma_start3A_75 : memref<16x100000xf32, #tpu.memory_space<any>>) target(%dma_start3A_73 : memref<16x100000xf32, #tpu.memory_space<vmem>>) target_semaphore(%dma_start3A_69 : memref<!tpu.dma_semaphore, #tpu.memory_space<semaphore_mem>>)
      } else {
      }
      %get3A = arith.index_cast %rem3A_26 : i32 to index
      %get3A_38 = arith.constant 0 : index
      %get3A_39 = arith.constant 0 : index
      %get3A_40 = vector.load %arg2[%get3A, %get3A_38, %get3A_39] : memref<3x16x100000xf32, #tpu.memory_space<vmem>>, vector<1x16x100000xf32>
      %get3A_41 = vector.shape_cast %get3A_40 : vector<1x16x100000xf32> to vector<16x100000xf32>
      %iota3A = tpu.iota {dimensions = array<i32: 1>} : vector<16x100000xi32>
      %reduce_max3A = arith.constant dense<0xFF800000> : vector<16xf32>
      %reduce_max3A_42 = vector.multi_reduction <maximumf>, %get3A_41, %reduce_max3A [1] : vector<16x100000xf32> to vector<16xf32>
      %broadcast_in_dim3A = vector.shape_cast %reduce_max3A_42 : vector<16xf32> to vector<16x1xf32>
      %eq3A = vector.broadcast %broadcast_in_dim3A : vector<16x1xf32> to vector<16x100000xf32>
      %eq3A_43 = arith.cmpf oeq, %get3A_41, %eq3A : vector<16x100000xf32>
      %jit3A = arith.constant 100000 : i32
      %broadcast_in_dim3A_44 = vector.broadcast %jit3A : i32 to vector<16x100000xi32>
      %select_n3A = arith.select %eq3A_43, %iota3A, %broadcast_in_dim3A_44 : vector<16x100000xi1>, vector<16x100000xi32>
      %reduce_min3A = arith.constant dense<2147483647> : vector<16xi32>
      %reduce_min3A_45 = vector.multi_reduction <minsi>, %select_n3A, %reduce_min3A [1] : vector<16x100000xi32> to vector<16xi32>
      %broadcast_in_dim3A_46 = vector.shape_cast %reduce_min3A_45 : vector<16xi32> to vector<16x1xi32>
      %iota3A_47 = tpu.iota {dimensions = array<i32: 0>} : vector<16x1xi32>
      %mul3A_48 = arith.constant 16 : i32
      %mul3A_49 = arith.muli %scan3A_25, %mul3A_48 : i32
      %add3A_50 = vector.broadcast %mul3A_49 : i32 to vector<16x1xi32>
      %add3A_51 = arith.addi %iota3A_47, %add3A_50 : vector<16x1xi32>
      %mul3A_52 = arith.constant 100000 : i32
      %mul3A_53 = vector.broadcast %mul3A_52 : i32 to vector<16x1xi32>
      %mul3A_54 = arith.muli %add3A_51, %mul3A_53 : vector<16x1xi32>
      %add3A_55 = arith.addi %broadcast_in_dim3A_46, %mul3A_54 : vector<16x1xi32>
      %mul3A_56 = arith.constant 16 : i32
      %mul3A_57 = arith.muli %scan3A_25, %mul3A_56 : i32
      %swap3A = arith.index_cast %mul3A_57 : i32 to index
      %swap3A_58 = arith.constant 0 : index
      %swap3A_59 = vector.load %arg3[%swap3A, %swap3A_58] : memref<128x1xi32, #tpu.memory_space<vmem>>, vector<16x1xi32>
      tpu.vector_store %arg3[%swap3A, %swap3A_58], %add3A_55 {strides = array<i32>} : memref<128x1xi32, #tpu.memory_space<vmem>>, vector<16x1xi32>,
    }
    %scan3A_24 = arith.constant 8 : i32
    tpu.enqueue_dma source(%arg3 : memref<128x1xi32, #tpu.memory_space<vmem>>) target(%arg1 : memref<128x1xi32, #tpu.memory_space<any>>) target_semaphore(%arg5 : memref<!tpu.dma_semaphore, #tpu.memory_space<semaphore_mem>>)
    tpu.wait_dma2 semaphore(%arg5 : memref<!tpu.dma_semaphore, #tpu.memory_space<semaphore_mem>>) src(%arg3 : memref<128x1xi32, #tpu.memory_space<vmem>>) dst(%arg1 : memref<128x1xi32, #tpu.memory_space<any>>)
    return
  }
}

</mosaic_0001>

<sc_bundles>
// kernel: kernel.5.cloned.1.call-start
scs
__scs_entry_jumppad:
0x0: {  	(pc) =	sbr.rel $0x88, $3  }
0x1: {  	(tag) =	ssettag $0x0;
	lr =	simm.s32 $0x1  }
0x2: {  	[smem:$0x3FA0] =	sst lr;
	_ =	strace $0xD0000000  }
0x3: {  	_ = 	snop  }
0x4: {  	_ = 	snop  }
0x5: {  	_ = 	snop  }
0x6: {  	_ = 	snop  }
0x7: {  	_ = 	snop  }
__scs_overlays_trampoline_lowered:
0x8: {  	[smem:$0x3FAF] =	sst s0  }
0x9: {  	[smem:$0x3FB0] =	sst s1  }
0xa: {  	[smem:$0x3FB1] =	sst s2  }
0xb: {  	[smem:$0x3FB2] =	sst s3  }
0xc: {  	[smem:$0x3FB3] =	sst s4  }
0xd: {  	[smem:$0x3FB4] =	sst s5  }
0xe: {  	[smem:$0x3FB5] =	sst s6  }
0xf: {  	[smem:$0x3FB6] =	sst s7  }
0x10: {  	[smem:$0x3FB7] =	sst s8  }
0x11: {  	[smem:$0x3FB8] =	sst s9;
	s0 =	simm.s32 @!p0 $0x0  }
0x12: {  	s1 =	sld [smem:$0x3F9E];
	s0 =	simm.s32 @p0 $0x1  }
0x13: {  	[smem:$0x3FB9] =	sst s0;
	s0 =	simm.s32 @!p1 $0x0  }
0x14: {  	s2 =	sld [smem:$0x3F9D];
	s0 =	simm.s32 @p1 $0x1  }
0x15: {  	[smem:$0x3FBA] =	sst s0;
	s0 =	simm.s32 @!p2 $0x0  }
0x16: {  	s3 =	sld [smem:$0x3FDB];
	s0 =	simm.s32 @p2 $0x1  }
0x17: {  	s4 =	simm.s32 $0x1BF5;
	[smem:$0x3FBC] =	sst s0  }
0x18: {  	s0 =	sld [smem:$0x3F9F];
	_ =	swait.ge [sflag:s4], $0x0  }
0x19: {  	s7 =	sld [smem:$0x3FA0]  }
0x1a: {  	s8 =	sadd.s32 $0xFFFFE003, lr  }
0x1b: {  	s9 =	sadd.s32 $0xFFFFFEF7, lr;
	s5 =	simm.s32 $0xFFFFFFFF;
	p2 =	slt.u32 s8, $0xFFFFF086  }
0x1c: {  	p1 =	slt.u32 s9, $0xF7A;
	s5 =	simm.s32 @!p2 $0x0  }
0x1d: {  	s5 =	simm.s32 @p1 $0x1;
	p0 =	seq.s32 s7, s2  }
0x1e: {  	s7 =	smul.u32 @!p0 $0xF7A, s2;
	p2 =	seq.s32 @!p0 s5, $0x0  }
0x1f: {  	s9 =	smul.u32 $0xF7A, s1;
	s8 =	simm.s32 @!p0 $0x1BF5;
	p2 =	por !p2, p0  }
0x20: {  	[sflag:s8] =	ssyncset.s32 @!p0 $0xFFFFF086;
	s6 =	sadd.s32 @!p0 s3, s7;
	s7 =	simm.s32 @!p0 $0x108  }
0x21: {  	s3 =	sadd.s32 s3, s9;
	s6 =	sadd.s32 @!p0 $0x88, s6;
	s7 =	simm.s32 @p2 $0x1082  }
0x22: {  	[simem:s7], [sflag:s8] =	dma.local @!p0 [hbm:s6], $0xF7A  }
0x23: {  	s9 =	sor.u32 $0xD0000000, s2;
	s6 =	simm.s32 $0x108;
	_ =	swait.ge @!p0 [sflag:s8], $0x0  }
0x24: {  	s3 =	sadd.s32 $0x88, s3;
	s6 =	simm.s32 @!p1 $0x1082;
	[sflag:s4] =	ssyncset.s32 $0xFFFFF086  }
0x25: {  	[simem:s6], [sflag:s4] =	dma.local [hbm:s3], $0xF7A  }
0x26: {  	[smem:$0x3FA0] =	sst s1;
	(tag) =	ssettag s2;
	_ =	strace s9  }
0x27: {  	s1 =	sld [smem:$0x3FB0]  }
0x28: {  	s2 =	sld [smem:$0x3FB1]  }
0x29: {  	s4 =	sld [smem:$0x3FB3]  }
0x2a: {  	p0 =	seq.s32 s5, $0x0;
	s5 =	sld [smem:$0x3FB4]  }
0x2b: {  	s6 =	sld [smem:$0x3FB5]  }
0x2c: {  	s7 =	sld [smem:$0x3FB6]  }
0x2d: {  	s3 =	simm.s32 $0x108;
	s8 =	sld [smem:$0x3FB7]  }
0x2e: {  	s3 =	simm.s32 @!p0 $0x1082;
	s9 =	sld [smem:$0x3FB8]  }
0x2f: {  	lr =	sadd.s32 s0, s3;
	s0 =	sld [smem:$0x3FAF]  }
0x30: {  	s3 =	sld [smem:$0x3FB2]  }
0x31: {  	[smem:$0x3FBB] =	sst s10  }
0x32: {  	s10 =	sld [smem:$0x3FB9];
	_ =	sdelay $0x3  }
0x33: {  	p0 =	seq.s32 s10, $0x1;
	s10 =	sld [smem:$0x3FBB];
	_ =	sdelay $0x3  }
0x34: {  	[smem:$0x3FBB] =	sst s10  }
0x35: {  	s10 =	sld [smem:$0x3FBA];
	_ =	sdelay $0x3  }
0x36: {  	p1 =	seq.s32 s10, $0x1;
	s10 =	sld [smem:$0x3FBB];
	_ =	sdelay $0x3  }
0x37: {  	[smem:$0x3FBB] =	sst s10  }
0x38: {  	s10 =	sld [smem:$0x3FBC]  }
0x39: {  	_ = 	snop;
	(pc) =	sbr.ind lr, $3  }
0x3a: {  	_ = 	snop  }
0x3b: {  	_ = 	snop  }
0x3c: {  	p2 =	seq.s32 s10, $0x1;
	s10 =	sld [smem:$0x3FBB]  }
0x3d: {  	_ =	shalt  }
0x3e: {  	_ =	shalt  }
0x3f: {  	_ =	shalt  }
0x40: {  	_ =	shalt  }
0x41: {  	_ =	shalt  }
0x42: {  	_ =	shalt  }
0x43: {  	_ =	shalt  }
0x44: {  	_ =	shalt  }
0x45: {  	_ =	shalt  }
0x46: {  	_ =	shalt  }
0x47: {  	_ =	shalt  }
0x48: {  	_ =	shalt  }
0x49: {  	_ =	shalt  }
0x4a: {  	_ =	shalt  }
0x4b: {  	_ =	shalt  }
0x4c: {  	_ =	shalt  }
0x4d: {  	_ =	shalt  }
0x4e: {  	_ =	shalt  }
0x4f: {  	_ =	shalt  }
0x50: {  	_ =	shalt  }
0x51: {  	_ =	shalt  }
0x52: {  	_ =	shalt  }
0x53: {  	_ =	shalt  }
0x54: {  	_ =	shalt  }
0x55: {  	_ =	shalt  }
0x56: {  	_ =	shalt  }
0x57: {  	_ =	shalt  }
0x58: {  	_ =	shalt  }
0x59: {  	_ =	shalt  }
0x5a: {  	_ =	shalt  }
0x5b: {  	_ =	shalt  }
0x5c: {  	_ =	shalt  }
0x5d: {  	_ =	shalt  }
0x5e: {  	_ =	shalt  }
0x5f: {  	_ =	shalt  }
0x60: {  	_ =	shalt  }
0x61: {  	_ =	shalt  }
0x62: {  	_ =	shalt  }
0x63: {  	_ =	shalt  }
0x64: {  	_ =	shalt  }
0x65: {  	_ =	shalt  }
0x66: {  	_ =	shalt  }
0x67: {  	_ =	shalt  }
0x68: {  	_ =	shalt  }
0x69: {  	_ =	shalt  }
0x6a: {  	_ =	shalt  }
0x6b: {  	_ =	shalt  }
0x6c: {  	_ =	shalt  }
0x6d: {  	_ =	shalt  }
0x6e: {  	_ =	shalt  }
0x6f: {  	_ =	shalt  }
0x70: {  	_ =	shalt  }
0x71: {  	_ =	shalt  }
0x72: {  	_ =	shalt  }
0x73: {  	_ =	shalt  }
0x74: {  	_ =	shalt  }
0x75: {  	_ =	shalt  }
0x76: {  	_ =	shalt  }
0x77: {  	_ =	shalt  }
0x78: {  	_ =	shalt  }
0x79: {  	_ =	shalt  }
0x7a: {  	_ =	shalt  }
0x7b: {  	_ =	shalt  }
0x7c: {  	_ =	shalt  }
0x7d: {  	_ =	shalt  }
0x7e: {  	_ =	shalt  }
0x7f: {  	_ =	shalt  }
0x80: {  	_ =	shalt  }
0x81: {  	_ =	shalt  }
0x82: {  	_ =	shalt  }
0x83: {  	_ =	shalt  }
0x84: {  	_ =	shalt  }
0x85: {  	_ =	shalt  }
0x86: {  	_ =	shalt  }
0x87: {  	_ =	shalt  }
.Lfunc_end0:
.L_simem_size_0:
called_computation.1_lowered:
.L_overlay_start_0:
0x88: {  	s2 =	sld [smem:$0x3FD9]  }
0x89: {  	s3 =	sld [smem:$0x3FFE];
	_ =	sdelay $0x1  }
0x8a: {  	s1 =	srdreg.scid  }
0x8b: {  	s0 =	sand.u32 $0x1, s1  }
0x8c: {  	s18 =	sshll.u32 s0, $0xA;
	s2 =	sadd.s32 s3, s2  }
0x8d: {  	s2 =	sadd.s32 s2, s18  }
0x8e: {  	[smem:$0x3FC7] =	sst s2  }
0x8f: {  	_ = 	snop  }
0x90: {  	s2 =	sld [smem:$0x3FD0];
	(tm) =	ssettm $0x1  }
0x91: {  	s19 =	sld [smem:$0x3FFB];
	_ =	sdelay $0x3  }
0x92: {  	_ =	strace s19  }
0x93: {  	s3 =	sld [smem:$0x3FFC];
	_ =	sdelay $0x3  }
0x94: {  	_ =	strace s3  }
0x95: {  	s3 =	sld [smem:$0x3FFD];
	_ =	sdelay $0x3  }
0x96: {  	_ =	strace s3  }
0x97: {  	_ =	strace $0x8FFFFFFF  }
0x98: {  	s20 =	sld [smem:$0x3FDB];
	_ =	sdelay $0x1  }
0x99: {  	s4 =	simm.s32 $_scs_section_size  }
0x9a: {  	s5 =	simm.s32 $_size__tile_overlayer_lowered;
	s6 =	simm.s32 $_tile_overlayer_lowered  }
0x9b: {  	s23 =	simm.s32 $0x1BFF;
	s22 =	sshll.u32 s6, $0x1;
	s3 =	sadd.s32 s4, s20  }
0x9c: {  	s7 =	simm.s32 $0x0;
	s21 =	sshll.u32 s5, $0x1;
	s5 =	sadd.s32 s22, s3  }
0x9d: {  	[timem:s7], [sflag:s23] =	dma.local [hbm:s5], s21  }
0x9e: {  	_ =	swait.ge [sflag:s23], s21  }
0x9f: {  	s4 =	ssub.s32 $0x0, s21;
	[sflag:s23] =	ssyncset.done $0x0  }
0xa0: {  	[sflag:s23] =	ssyncadd.s32 s4;
	_ =	sdelay $0x1  }
0xa1: {  	s24 =	simm.s32 $0x1B8B  }
0xa2: {  	_ =	swait.ge [sflag:s24], $0x1  }
0xa3: {  	[sflag:s24] =	ssyncset.done $0x0  }
0xa4: {  	s25 =	simm.s32 $0x1B8E;
	[sflag:s24] =	ssyncadd.s32 $0xFFFFFFFF  }
0xa5: {  	s26 =	simm.s32 $execute0_lowered;
	[smem:$0x3FD2] =	sst s25  }
0xa6: {  	s4 =	sshll.u32 s26, $0x1;
	_ =	strace $0x80000046;
	[dreg:$0x1] =	wrdreg $0xFFFFFFFF  }
0xa7: {  	s28 =	simm.s32 $_size_execute0_lowered;
	s3 =	sadd.s32 s3, s4;
	[dreg:$0x0] =	wrdreg $0x0  }
0xa8: {  	s4 =	sshll.u32 s28, $0x1;
	[dreg:$0x2] =	wrdreg s3  }
0xa9: {  	[dreg:$0x3] =	wrdreg s4  }
0xaa: {  	[dreg:$0x4] =	wrdreg $0xC0  }
0xab: {  	_ =	task [dreg:s7], $0x5FFFF  }
0xac: {  	[dreg:$0x1] =	wrdreg $0xFFFFFFFF  }
0xad: {  	[dreg:$0x0] =	wrdreg $0x60  }
0xae: {  	[dreg:$0x2] =	wrdreg s2  }
0xaf: {  	[dreg:$0x3] =	wrdreg $0x9  }
0xb0: {  	_ =	task.clear_ibuf [dreg:s7], $0x4FFFF;
	_ =	strace $0x90000046  }
0xb1: {  	s29 =	simm.s32 $0x9;
	_ =	strace $0x80000048  }
0xb2: {  	_ =	swait.ge [sflag:s29], $0x1  }
0xb3: {  	[sflag:s29] =	ssyncadd.s32 $0xFFFFFFFF  }
0xb4: {  	_ =	strace $0x90000048  }
0xb5: {  	_ =	sfence  }
0xb6: {  	s30 =	sld [smem:$0x0];
	_ =	sdelay $0x2  }
0xb7: {  	s31 =	sshll.u32 s1, $0xD;
	s1 =	sshrl.u32 s1, $0x2  }
0xb8: {  	s3 =	sand.u32 $0x4000, s31;
	s1 =	sadd.s32 s1, s30  }
0xb9: {  	s0 =	sor.u32 s3, s0;
	s1 =	sshll.u32 s1, $0x11  }
0xba: {  	s0 =	sor.u32 s1, s0  }
0xbb: {  	s0 =	sadd.s32 $0x8F2B, s0  }
0xbc: {  	[sflag:s0] =	ssyncadd.remote.s32 $0x1  }
0xbd: {  	_ =	sfence.sel $0xFFFF  }
0xbe: {  	[dreg:$0x0] =	wrdreg $0xFFFFFFFF;
	(pc) =	sbr.abs _section_cstart, $3  }
0xbf: {  	[dreg:$0x1] =	wrdreg $0xFFFFFFFF  }
0xc0: {  	_ =	task.clear_ibuf [dreg:s7], $0x2FFFF;
	_ =	strace $0x9FFFFFFF  }
0xc1: {  	(tm) =	ssettm $0x7FFFFFFF  }
tec
execute0_lowered:
.L_overlay_start_1:
0x0: {  	(tag) =	ssettag $0x1  }
0x1: {  	s1 =	srdreg.scid;
	s0 =	stileid.u32  }
0x2: {  	s3 =	sand.u32 $0x1, s1;
	s29 =	sshll.u32 s0, $0x1  }
0x3: {  	s1 =	sor.u32 s3, s29  }
0x4: {  	s4 =	rddreg [dreg:$0x0];
	s2 =	simm.s32 $0x0;
	s5 =	smul.u32 $0x61A80, s1  }
0x5: {  	s24 =	simm.s32 $0x1;
	s25 =	simm.s32 $0x0;
	s6 =	ssub.s32 $0x2, s3  }
0x6: {  	[smem:$0x7FF] =	sst s2;
	s31 =	sshrl.u32 s6, $0x1;
	s30 =	sshrl.u32 s5, $0x3  }
0x7: {  	s1 =	rddreg [dreg:$0x1];
	s23 =	ssub.s32 s6, s31;
	s3 =	sadd.s32 s4, s30  }
0x8: {  	_ =	strace $0x80000047;
	s23 =	smax.u32 s23, $0x1;
	s4 =	sadd.s32 $0x9C4, s3  }
0x9: {  	s5 =	sadd.s32 $0x1388, s3;
	s6 =	sadd.s32 $0x1D4C, s3;
	s7 =	sadd.s32 $0x2710, s3  }
0xa: {  	s8 =	sadd.s32 $0x30D4, s3;
	s9 =	sadd.s32 $0x3A98, s3;
	s10 =	sadd.s32 $0x445C, s3  }
0xb: {  	s11 =	sadd.s32 $0x4E20, s3;
	s12 =	sadd.s32 $0x57E4, s3;
	s13 =	sadd.s32 $0x61A8, s3  }
0xc: {  	s14 =	sadd.s32 $0x6B6C, s3;
	s15 =	sadd.s32 $0x7530, s3;
	s16 =	sadd.s32 $0x7EF4, s3  }
0xd: {  	s17 =	sadd.s32 $0x88B8, s3;
	s18 =	sadd.s32 $0x927C, s3;
	s19 =	sadd.s32 $0x9C40, s3  }
0xe: {  	v0 =	vimm.f32 $0.0e+00;
	s20 =	sadd.s32 $0xA604, s3;
	s21 =	sadd.s32 $0xAFC8, s3;
	s22 =	sadd.s32 $0xB98C, s3  }
.LBB2_1:
0xf: {  	s26 =	simm.s32 $0x40  }
0x10: {  	[tilespmem:s26+$0xFFFFFFC0] =	vst v0  }
0x11: {  	[tilespmem:s26+$0x30] =	vst v0  }
0x12: {  	[tilespmem:s26+$0x20] =	vst v0  }
0x13: {  	[tilespmem:s26+$0x10] =	vst v0  }
0x14: {  	[tilespmem:s26+$0x0] =	vst v0  }
0x15: {  	[tilespmem:s26+$0xFFFFFFF0] =	vst v0  }
0x16: {  	s28 =	simm.s32 $0x0;
	[tilespmem:s26+$0xFFFFFFE0] =	vst v0  }
.LBB2_2:
0x17: {  	s28 =	sadd.s32 $0x8, s28;
	[tilespmem:s26+$0xFFFFFFD0] =	vst v0;
	s26 =	sadd.s32 $0x80, s26  }
0x18: {  	[tilespmem:s26+$0xFFFFFFC0] =	vst v0;
	p0 =	slt.u32 s28, $0x4D8  }
0x19: {  	[tilespmem:s26+$0x30] =	vst v0  }
.Ltmp0:
0x1a: {  	[tilespmem:s26+$0x20] =	vst v0;
	(pc) =	sbr.rel @p0 .LBB2_2-.Ltmp0, $4  }
0x1b: {  	[tilespmem:s26+$0x10] =	vst v0  }
0x1c: {  	[tilespmem:s26+$0x0] =	vst v0  }
0x1d: {  	[tilespmem:s26+$0xFFFFFFF0] =	vst v0  }
0x1e: {  	[tilespmem:s26+$0xFFFFFFE0] =	vst v0  }
0x1f: {  	[tilespmem:s26+$0xFFFFFFD0] =	vst v0  }
0x20: {  	[tilespmem:$0x4E00] =	vst v0  }
0x21: {  	[tilespmem:$0x4E10] =	vst v0  }
0x22: {  	[hbm4b:s3+s2] =	stream.linear.scatter [tilespmem:s2], [sflag:$0x1], $0x4E20, $0x38;
	[tilespmem:$0x4E80] =	vst v63  }
0x23: {  	_ = 	snop  }
0x24: {  	[hbm4b:s4+s2] =	stream.linear.scatter [tilespmem:s2], [sflag:$0x1], $0x4E20, $0x38;
	[tilespmem:$0x4E80] =	vst v63  }
0x25: {  	_ = 	snop  }
0x26: {  	[hbm4b:s5+s2] =	stream.linear.scatter [tilespmem:s2], [sflag:$0x1], $0x4E20, $0x38;
	[tilespmem:$0x4E80] =	vst v63  }
0x27: {  	_ = 	snop  }
0x28: {  	[hbm4b:s6+s2] =	stream.linear.scatter [tilespmem:s2], [sflag:$0x1], $0x4E20, $0x38;
	[tilespmem:$0x4E80] =	vst v63  }
0x29: {  	_ = 	snop  }
0x2a: {  	[hbm4b:s7+s2] =	stream.linear.scatter [tilespmem:s2], [sflag:$0x1], $0x4E20, $0x38;
	[tilespmem:$0x4E80] =	vst v63  }
0x2b: {  	_ = 	snop  }
0x2c: {  	[hbm4b:s8+s2] =	stream.linear.scatter [tilespmem:s2], [sflag:$0x1], $0x4E20, $0x38;
	[tilespmem:$0x4E80] =	vst v63  }
0x2d: {  	_ = 	snop  }
0x2e: {  	[hbm4b:s9+s2] =	stream.linear.scatter [tilespmem:s2], [sflag:$0x1], $0x4E20, $0x38;
	[tilespmem:$0x4E80] =	vst v63  }
0x2f: {  	_ = 	snop  }
0x30: {  	[hbm4b:s10+s2] =	stream.linear.scatter [tilespmem:s2], [sflag:$0x1], $0x4E20, $0x38;
	[tilespmem:$0x4E80] =	vst v63  }
0x31: {  	_ = 	snop  }
0x32: {  	[hbm4b:s11+s2] =	stream.linear.scatter [tilespmem:s2], [sflag:$0x1], $0x4E20, $0x38;
	[tilespmem:$0x4E80] =	vst v63  }
0x33: {  	_ = 	snop  }
0x34: {  	[hbm4b:s12+s2] =	stream.linear.scatter [tilespmem:s2], [sflag:$0x1], $0x4E20, $0x38;
	[tilespmem:$0x4E80] =	vst v63  }
0x35: {  	_ = 	snop  }
0x36: {  	[hbm4b:s13+s2] =	stream.linear.scatter [tilespmem:s2], [sflag:$0x1], $0x4E20, $0x38;
	[tilespmem:$0x4E80] =	vst v63  }
0x37: {  	_ = 	snop  }
0x38: {  	[hbm4b:s14+s2] =	stream.linear.scatter [tilespmem:s2], [sflag:$0x1], $0x4E20, $0x38;
	[tilespmem:$0x4E80] =	vst v63  }
0x39: {  	_ = 	snop  }
0x3a: {  	[hbm4b:s15+s2] =	stream.linear.scatter [tilespmem:s2], [sflag:$0x1], $0x4E20, $0x38;
	[tilespmem:$0x4E80] =	vst v63  }
0x3b: {  	_ = 	snop  }
0x3c: {  	[hbm4b:s16+s2] =	stream.linear.scatter [tilespmem:s2], [sflag:$0x1], $0x4E20, $0x38;
	[tilespmem:$0x4E80] =	vst v63  }
0x3d: {  	_ = 	snop  }
0x3e: {  	[hbm4b:s17+s2] =	stream.linear.scatter [tilespmem:s2], [sflag:$0x1], $0x4E20, $0x38;
	[tilespmem:$0x4E80] =	vst v63  }
0x3f: {  	_ = 	snop  }
0x40: {  	[hbm4b:s18+s2] =	stream.linear.scatter [tilespmem:s2], [sflag:$0x1], $0x4E20, $0x38;
	[tilespmem:$0x4E80] =	vst v63  }
0x41: {  	_ = 	snop  }
0x42: {  	[hbm4b:s19+s2] =	stream.linear.scatter [tilespmem:s2], [sflag:$0x1], $0x4E20, $0x38;
	[tilespmem:$0x4E80] =	vst v63  }
0x43: {  	_ = 	snop  }
0x44: {  	[hbm4b:s20+s2] =	stream.linear.scatter [tilespmem:s2], [sflag:$0x1], $0x4E20, $0x38;
	[tilespmem:$0x4E80] =	vst v63  }
0x45: {  	_ = 	snop  }
0x46: {  	[hbm4b:s21+s2] =	stream.linear.scatter [tilespmem:s2], [sflag:$0x1], $0x4E20, $0x38;
	[tilespmem:$0x4E80] =	vst v63  }
0x47: {  	_ = 	snop  }
0x48: {  	[hbm4b:s22+s2] =	stream.linear.scatter [tilespmem:s2], [sflag:$0x1], $0x4E20, $0x38;
	[tilespmem:$0x4E80] =	vst v63  }
0x49: {  	_ =	swait.ge [sflag:s24], $0x4E20  }
0x4a: {  	[sflag:s24] =	ssyncset.done $0x0  }
0x4b: {  	[sflag:s24] =	ssyncadd.s32 $0xFFFFB1E0  }
0x4c: {  	_ =	swait.ge [sflag:s24], $0x4E20  }
0x4d: {  	[sflag:s24] =	ssyncset.done $0x0  }
0x4e: {  	[sflag:s24] =	ssyncadd.s32 $0xFFFFB1E0  }
0x4f: {  	_ =	swait.ge [sflag:s24], $0x4E20  }
0x50: {  	[sflag:s24] =	ssyncset.done $0x0  }
0x51: {  	[sflag:s24] =	ssyncadd.s32 $0xFFFFB1E0  }
0x52: {  	_ =	swait.ge [sflag:s24], $0x4E20  }
0x53: {  	[sflag:s24] =	ssyncset.done $0x0  }
0x54: {  	[sflag:s24] =	ssyncadd.s32 $0xFFFFB1E0  }
0x55: {  	_ =	swait.ge [sflag:s24], $0x4E20  }
0x56: {  	[sflag:s24] =	ssyncset.done $0x0  }
0x57: {  	[sflag:s24] =	ssyncadd.s32 $0xFFFFB1E0  }
0x58: {  	_ =	swait.ge [sflag:s24], $0x4E20  }
0x59: {  	[sflag:s24] =	ssyncset.done $0x0  }
0x5a: {  	[sflag:s24] =	ssyncadd.s32 $0xFFFFB1E0  }
0x5b: {  	_ =	swait.ge [sflag:s24], $0x4E20  }
0x5c: {  	[sflag:s24] =	ssyncset.done $0x0  }
0x5d: {  	[sflag:s24] =	ssyncadd.s32 $0xFFFFB1E0  }
0x5e: {  	_ =	swait.ge [sflag:s24], $0x4E20  }
0x5f: {  	[sflag:s24] =	ssyncset.done $0x0  }
0x60: {  	[sflag:s24] =	ssyncadd.s32 $0xFFFFB1E0  }
0x61: {  	_ =	swait.ge [sflag:s24], $0x4E20  }
0x62: {  	[sflag:s24] =	ssyncset.done $0x0  }
0x63: {  	[sflag:s24] =	ssyncadd.s32 $0xFFFFB1E0  }
0x64: {  	_ =	swait.ge [sflag:s24], $0x4E20  }
0x65: {  	[sflag:s24] =	ssyncset.done $0x0  }
0x66: {  	[sflag:s24] =	ssyncadd.s32 $0xFFFFB1E0  }
0x67: {  	_ =	swait.ge [sflag:s24], $0x4E20  }
0x68: {  	[sflag:s24] =	ssyncset.done $0x0  }
0x69: {  	[sflag:s24] =	ssyncadd.s32 $0xFFFFB1E0  }
0x6a: {  	_ =	swait.ge [sflag:s24], $0x4E20  }
0x6b: {  	[sflag:s24] =	ssyncset.done $0x0  }
0x6c: {  	[sflag:s24] =	ssyncadd.s32 $0xFFFFB1E0  }
0x6d: {  	_ =	swait.ge [sflag:s24], $0x4E20  }
0x6e: {  	[sflag:s24] =	ssyncset.done $0x0  }
0x6f: {  	[sflag:s24] =	ssyncadd.s32 $0xFFFFB1E0  }
0x70: {  	_ =	swait.ge [sflag:s24], $0x4E20  }
0x71: {  	[sflag:s24] =	ssyncset.done $0x0  }
0x72: {  	[sflag:s24] =	ssyncadd.s32 $0xFFFFB1E0  }
0x73: {  	_ =	swait.ge [sflag:s24], $0x4E20  }
0x74: {  	[sflag:s24] =	ssyncset.done $0x0  }
0x75: {  	[sflag:s24] =	ssyncadd.s32 $0xFFFFB1E0  }
0x76: {  	_ =	swait.ge [sflag:s24], $0x4E20  }
0x77: {  	[sflag:s24] =	ssyncset.done $0x0  }
0x78: {  	[sflag:s24] =	ssyncadd.s32 $0xFFFFB1E0  }
0x79: {  	_ =	swait.ge [sflag:s24], $0x4E20  }
0x7a: {  	[sflag:s24] =	ssyncset.done $0x0  }
0x7b: {  	[sflag:s24] =	ssyncadd.s32 $0xFFFFB1E0  }
0x7c: {  	_ =	swait.ge [sflag:s24], $0x4E20  }
0x7d: {  	[sflag:s24] =	ssyncset.done $0x0  }
0x7e: {  	s25 =	sadd.s32 $0x1, s25;
	[sflag:s24] =	ssyncadd.s32 $0xFFFFB1E0  }
0x7f: {  	p0 =	sne.s32 s25, s23;
	_ =	swait.ge [sflag:s24], $0x4E20  }
.Ltmp1:
0x80: {  	[sflag:s24] =	ssyncset.done $0x0;
	(pc) =	sbr.rel @p0 .LBB2_1-.Ltmp1, $4  }
0x81: {  	[sflag:s24] =	ssyncadd.s32 $0xFFFFB1E0  }
0x82: {  	_ =	swait.ge [sflag:s24], $0x4E20  }
0x83: {  	[sflag:s24] =	ssyncset.done $0x0  }
0x84: {  	[sflag:s24] =	ssyncadd.s32 $0xFFFFB1E0  }
0x85: {  	_ =	sfence.sel $0x180000  }
0x86: {  	[bflag:$0x0] =	sbarrier.arrive $0xFFFF  }
0x87: {  	p0 =	sne.s32 s0, $0x0;
	_ =	strace $0x90000047  }
0x88: {  	s0 =	sadd.s32 @!p0 $0x100000, s1;
	[bflag:$0x2] =	sbarrier.arrive $0xFFFF  }
0x89: {  	[sflag:s0] =	ssyncadd.tile.s32 @!p0 $0x1;
	_ =	shalt  }
.Lfunc_end2:
_tile_overlayer_lowered:
.L_overlay_start_2:
0x8a: {  	(tag) =	ssettag $0x2  }
0x8b: {  	s0 =	rddreg [dreg:$0x0];
	s2 =	stileid.u32  }
0x8c: {  	s1 =	rddreg [dreg:$0x1];
	p0 =	sne.s32 s2, $0x0  }
0x8d: {  	s3 =	rddreg [dreg:$0x2];
	[bflag:$0x3] =	sbarrier.arrive $0xFFFF;
	s2 =	simm.s32 @!p0 $0x1C02  }
0x8e: {  	[timem:s3], [sflag:s2] =	dma.local @!p0 [hbm:s0], s1  }
0x8f: {  	s0 =	simm.s32 @!p0 $0x2  }
0x90: {  	_ =	swait.ge @!p0 [sflag:s0], s1  }
0x91: {  	s1 =	ssub.s32 @!p0 $0x0, s1;
	[sflag:s0] =	ssyncset.done @!p0 $0x0  }
0x92: {  	[sflag:s0] =	ssyncadd.s32 @!p0 s1  }
0x93: {  	[bflag:$0x3] =	sbarrier.arrive $0xFFFF  }
0x94: {  	_ =	shalt  }

// kernel: kernel.8.cloned.1.call-start
scs
__scs_entry_jumppad:
0x0: {  	(pc) =	sbr.rel $0x88, $3  }
0x1: {  	(tag) =	ssettag $0x0;
	lr =	simm.s32 $0x1  }
0x2: {  	[smem:$0x3FA0] =	sst lr;
	_ =	strace $0xD0000000  }
0x3: {  	_ = 	snop  }
0x4: {  	_ = 	snop  }
0x5: {  	_ = 	snop  }
0x6: {  	_ = 	snop  }
0x7: {  	_ = 	snop  }
__scs_overlays_trampoline_lowered:
0x8: {  	[smem:$0x3FAF] =	sst s0  }
0x9: {  	[smem:$0x3FB0] =	sst s1  }
0xa: {  	[smem:$0x3FB1] =	sst s2  }
0xb: {  	[smem:$0x3FB2] =	sst s3  }
0xc: {  	[smem:$0x3FB3] =	sst s4  }
0xd: {  	[smem:$0x3FB4] =	sst s5  }
0xe: {  	[smem:$0x3FB5] =	sst s6  }
0xf: {  	[smem:$0x3FB6] =	sst s7  }
0x10: {  	[smem:$0x3FB7] =	sst s8  }
0x11: {  	[smem:$0x3FB8] =	sst s9;
	s0 =	simm.s32 @!p0 $0x0  }
0x12: {  	s1 =	sld [smem:$0x3F9E];
	s0 =	simm.s32 @p0 $0x1  }
0x13: {  	[smem:$0x3FB9] =	sst s0;
	s0 =	simm.s32 @!p1 $0x0  }
0x14: {  	s2 =	sld [smem:$0x3F9D];
	s0 =	simm.s32 @p1 $0x1  }
0x15: {  	[smem:$0x3FBA] =	sst s0;
	s0 =	simm.s32 @!p2 $0x0  }
0x16: {  	s3 =	sld [smem:$0x3FDB];
	s0 =	simm.s32 @p2 $0x1  }
0x17: {  	s4 =	simm.s32 $0x1BF5;
	[smem:$0x3FBC] =	sst s0  }
0x18: {  	s0 =	sld [smem:$0x3F9F];
	_ =	swait.ge [sflag:s4], $0x0  }
0x19: {  	s7 =	sld [smem:$0x3FA0]  }
0x1a: {  	s8 =	sadd.s32 $0xFFFFE003, lr  }
0x1b: {  	s9 =	sadd.s32 $0xFFFFFEF7, lr;
	s5 =	simm.s32 $0xFFFFFFFF;
	p2 =	slt.u32 s8, $0xFFFFF086  }
0x1c: {  	p1 =	slt.u32 s9, $0xF7A;
	s5 =	simm.s32 @!p2 $0x0  }
0x1d: {  	s5 =	simm.s32 @p1 $0x1;
	p0 =	seq.s32 s7, s2  }
0x1e: {  	s7 =	smul.u32 @!p0 $0xF7A, s2;
	p2 =	seq.s32 @!p0 s5, $0x0  }
0x1f: {  	s9 =	smul.u32 $0xF7A, s1;
	s8 =	simm.s32 @!p0 $0x1BF5;
	p2 =	por !p2, p0  }
0x20: {  	[sflag:s8] =	ssyncset.s32 @!p0 $0xFFFFF086;
	s6 =	sadd.s32 @!p0 s3, s7;
	s7 =	simm.s32 @!p0 $0x108  }
0x21: {  	s3 =	sadd.s32 s3, s9;
	s6 =	sadd.s32 @!p0 $0x88, s6;
	s7 =	simm.s32 @p2 $0x1082  }
0x22: {  	[simem:s7], [sflag:s8] =	dma.local @!p0 [hbm:s6], $0xF7A  }
0x23: {  	s9 =	sor.u32 $0xD0000000, s2;
	s6 =	simm.s32 $0x108;
	_ =	swait.ge @!p0 [sflag:s8], $0x0  }
0x24: {  	s3 =	sadd.s32 $0x88, s3;
	s6 =	simm.s32 @!p1 $0x1082;
	[sflag:s4] =	ssyncset.s32 $0xFFFFF086  }
0x25: {  	[simem:s6], [sflag:s4] =	dma.local [hbm:s3], $0xF7A  }
0x26: {  	[smem:$0x3FA0] =	sst s1;
	(tag) =	ssettag s2;
	_ =	strace s9  }
0x27: {  	s1 =	sld [smem:$0x3FB0]  }
0x28: {  	s2 =	sld [smem:$0x3FB1]  }
0x29: {  	s4 =	sld [smem:$0x3FB3]  }
0x2a: {  	p0 =	seq.s32 s5, $0x0;
	s5 =	sld [smem:$0x3FB4]  }
0x2b: {  	s6 =	sld [smem:$0x3FB5]  }
0x2c: {  	s7 =	sld [smem:$0x3FB6]  }
0x2d: {  	s3 =	simm.s32 $0x108;
	s8 =	sld [smem:$0x3FB7]  }
0x2e: {  	s3 =	simm.s32 @!p0 $0x1082;
	s9 =	sld [smem:$0x3FB8]  }
0x2f: {  	lr =	sadd.s32 s0, s3;
	s0 =	sld [smem:$0x3FAF]  }
0x30: {  	s3 =	sld [smem:$0x3FB2]  }
0x31: {  	[smem:$0x3FBB] =	sst s10  }
0x32: {  	s10 =	sld [smem:$0x3FB9];
	_ =	sdelay $0x3  }
0x33: {  	p0 =	seq.s32 s10, $0x1;
	s10 =	sld [smem:$0x3FBB];
	_ =	sdelay $0x3  }
0x34: {  	[smem:$0x3FBB] =	sst s10  }
0x35: {  	s10 =	sld [smem:$0x3FBA];
	_ =	sdelay $0x3  }
0x36: {  	p1 =	seq.s32 s10, $0x1;
	s10 =	sld [smem:$0x3FBB];
	_ =	sdelay $0x3  }
0x37: {  	[smem:$0x3FBB] =	sst s10  }
0x38: {  	s10 =	sld [smem:$0x3FBC]  }
0x39: {  	_ = 	snop;
	(pc) =	sbr.ind lr, $3  }
0x3a: {  	_ = 	snop  }
0x3b: {  	_ = 	snop  }
0x3c: {  	p2 =	seq.s32 s10, $0x1;
	s10 =	sld [smem:$0x3FBB]  }
0x3d: {  	_ =	shalt  }
0x3e: {  	_ =	shalt  }
0x3f: {  	_ =	shalt  }
0x40: {  	_ =	shalt  }
0x41: {  	_ =	shalt  }
0x42: {  	_ =	shalt  }
0x43: {  	_ =	shalt  }
0x44: {  	_ =	shalt  }
0x45: {  	_ =	shalt  }
0x46: {  	_ =	shalt  }
0x47: {  	_ =	shalt  }
0x48: {  	_ =	shalt  }
0x49: {  	_ =	shalt  }
0x4a: {  	_ =	shalt  }
0x4b: {  	_ =	shalt  }
0x4c: {  	_ =	shalt  }
0x4d: {  	_ =	shalt  }
0x4e: {  	_ =	shalt  }
0x4f: {  	_ =	shalt  }
0x50: {  	_ =	shalt  }
0x51: {  	_ =	shalt  }
0x52: {  	_ =	shalt  }
0x53: {  	_ =	shalt  }
0x54: {  	_ =	shalt  }
0x55: {  	_ =	shalt  }
0x56: {  	_ =	shalt  }
0x57: {  	_ =	shalt  }
0x58: {  	_ =	shalt  }
0x59: {  	_ =	shalt  }
0x5a: {  	_ =	shalt  }
0x5b: {  	_ =	shalt  }
0x5c: {  	_ =	shalt  }
0x5d: {  	_ =	shalt  }
0x5e: {  	_ =	shalt  }
0x5f: {  	_ =	shalt  }
0x60: {  	_ =	shalt  }
0x61: {  	_ =	shalt  }
0x62: {  	_ =	shalt  }
0x63: {  	_ =	shalt  }
0x64: {  	_ =	shalt  }
0x65: {  	_ =	shalt  }
0x66: {  	_ =	shalt  }
0x67: {  	_ =	shalt  }
0x68: {  	_ =	shalt  }
0x69: {  	_ =	shalt  }
0x6a: {  	_ =	shalt  }
0x6b: {  	_ =	shalt  }
0x6c: {  	_ =	shalt  }
0x6d: {  	_ =	shalt  }
0x6e: {  	_ =	shalt  }
0x6f: {  	_ =	shalt  }
0x70: {  	_ =	shalt  }
0x71: {  	_ =	shalt  }
0x72: {  	_ =	shalt  }
0x73: {  	_ =	shalt  }
0x74: {  	_ =	shalt  }
0x75: {  	_ =	shalt  }
0x76: {  	_ =	shalt  }
0x77: {  	_ =	shalt  }
0x78: {  	_ =	shalt  }
0x79: {  	_ =	shalt  }
0x7a: {  	_ =	shalt  }
0x7b: {  	_ =	shalt  }
0x7c: {  	_ =	shalt  }
0x7d: {  	_ =	shalt  }
0x7e: {  	_ =	shalt  }
0x7f: {  	_ =	shalt  }
0x80: {  	_ =	shalt  }
0x81: {  	_ =	shalt  }
0x82: {  	_ =	shalt  }
0x83: {  	_ =	shalt  }
0x84: {  	_ =	shalt  }
0x85: {  	_ =	shalt  }
0x86: {  	_ =	shalt  }
0x87: {  	_ =	shalt  }
.Lfunc_end0:
.L_simem_size_0:
called_computation.2_lowered:
.L_overlay_start_0:
0x88: {  	s2 =	sld [smem:$0x3FD9]  }
0x89: {  	s3 =	sld [smem:$0x3FFE];
	_ =	sdelay $0x1  }
0x8a: {  	s1 =	srdreg.scid  }
0x8b: {  	s0 =	sand.u32 $0x1, s1  }
0x8c: {  	s17 =	sshll.u32 s0, $0xA;
	s2 =	sadd.s32 s3, s2  }
0x8d: {  	s2 =	sadd.s32 s2, s17  }
0x8e: {  	[smem:$0x3FC7] =	sst s2  }
0x8f: {  	_ = 	snop  }
0x90: {  	s2 =	sld [smem:$0x3FD0];
	(tm) =	ssettm $0x1  }
0x91: {  	s18 =	sld [smem:$0x3FFB];
	_ =	sdelay $0x3  }
0x92: {  	_ =	strace s18  }
0x93: {  	s3 =	sld [smem:$0x3FFC];
	_ =	sdelay $0x3  }
0x94: {  	_ =	strace s3  }
0x95: {  	s3 =	sld [smem:$0x3FFD];
	_ =	sdelay $0x3  }
0x96: {  	_ =	strace s3  }
0x97: {  	_ =	strace $0x8FFFFFFF  }
0x98: {  	s19 =	sld [smem:$0x3FDB];
	_ =	sdelay $0x1  }
0x99: {  	s4 =	simm.s32 $_scs_section_size  }
0x9a: {  	s5 =	simm.s32 $_size__tile_overlayer_lowered;
	s6 =	simm.s32 $_tile_overlayer_lowered  }
0x9b: {  	s22 =	simm.s32 $0x1BFF;
	s21 =	sshll.u32 s6, $0x1;
	s3 =	sadd.s32 s4, s19  }
0x9c: {  	s7 =	simm.s32 $0x0;
	s20 =	sshll.u32 s5, $0x1;
	s5 =	sadd.s32 s21, s3  }
0x9d: {  	[timem:s7], [sflag:s22] =	dma.local [hbm:s5], s20  }
0x9e: {  	_ =	swait.ge [sflag:s22], s20  }
0x9f: {  	s4 =	ssub.s32 $0x0, s20;
	[sflag:s22] =	ssyncset.done $0x0  }
0xa0: {  	[sflag:s22] =	ssyncadd.s32 s4;
	_ =	sdelay $0x1  }
0xa1: {  	s23 =	simm.s32 $0x1B8B  }
0xa2: {  	_ =	swait.ge [sflag:s23], $0x1  }
0xa3: {  	[sflag:s23] =	ssyncset.done $0x0  }
0xa4: {  	s25 =	simm.s32 $0x1B8E;
	s24 =	sld [smem:$0x3FFE];
	[sflag:s23] =	ssyncadd.s32 $0xFFFFFFFF  }
0xa5: {  	s26 =	simm.s32 $execute0_lowered;
	[smem:$0x3FD2] =	sst s25  }
0xa6: {  	s5 =	sshll.u32 s26, $0x1;
	_ =	strace $0x80000049;
	[dreg:$0x1] =	wrdreg $0xFFFFFFFF  }
0xa7: {  	s28 =	simm.s32 $_size_execute0_lowered;
	s3 =	sadd.s32 s3, s5;
	[dreg:$0x0] =	wrdreg $0x0  }
0xa8: {  	s5 =	sshll.u32 s28, $0x1;
	[dreg:$0x2] =	wrdreg s3  }
0xa9: {  	[dreg:$0x3] =	wrdreg s5  }
0xaa: {  	[dreg:$0x4] =	wrdreg $0xC0  }
0xab: {  	_ =	task [dreg:s7], $0x5FFFF  }
0xac: {  	[dreg:$0x1] =	wrdreg $0xFFFFFFFF  }
0xad: {  	[dreg:$0x0] =	wrdreg $0x60  }
0xae: {  	[dreg:$0x2] =	wrdreg s2  }
0xaf: {  	[dreg:$0x3] =	wrdreg s24  }
0xb0: {  	[dreg:$0x4] =	wrdreg $0x9  }
0xb1: {  	_ =	task.clear_ibuf [dreg:s7], $0x5FFFF;
	_ =	strace $0x90000049  }
0xb2: {  	s29 =	simm.s32 $0x9;
	_ =	strace $0x8000004B  }
0xb3: {  	_ =	swait.ge [sflag:s29], $0x1  }
0xb4: {  	[sflag:s29] =	ssyncadd.s32 $0xFFFFFFFF  }
0xb5: {  	_ =	strace $0x9000004B  }
0xb6: {  	_ =	sfence  }
0xb7: {  	s30 =	sld [smem:$0x0];
	_ =	sdelay $0x2  }
0xb8: {  	s31 =	sshll.u32 s1, $0xD;
	s1 =	sshrl.u32 s1, $0x2  }
0xb9: {  	s3 =	sand.u32 $0x4000, s31;
	s1 =	sadd.s32 s1, s30  }
0xba: {  	s0 =	sor.u32 s3, s0;
	s1 =	sshll.u32 s1, $0x11  }
0xbb: {  	s0 =	sor.u32 s1, s0  }
0xbc: {  	s0 =	sadd.s32 $0x8F2B, s0  }
0xbd: {  	[sflag:s0] =	ssyncadd.remote.s32 $0x1  }
0xbe: {  	_ =	sfence.sel $0xFFFF  }
0xbf: {  	[dreg:$0x0] =	wrdreg $0xFFFFFFFF;
	(pc) =	sbr.abs _section_cstart, $3  }
0xc0: {  	[dreg:$0x1] =	wrdreg $0xFFFFFFFF  }
0xc1: {  	_ =	task.clear_ibuf [dreg:s7], $0x2FFFF;
	_ =	strace $0x9FFFFFFF  }
0xc2: {  	(tm) =	ssettm $0x7FFFFFFF  }
0xc3: {  	_ =	shalt  }
tec
execute0_lowered:
.L_overlay_start_1:
0x0: {  	(tag) =	ssettag $0x1  }
0x1: {  	s0 =	srdreg.scid  }
0x2: {  	s6 =	sand.u32 $0x1, s0;
	s0 =	stileid.u32  }
0x3: {  	s4 =	sor.u32 s0, s6  }
0x4: {  	p0 =	sne.s32 s4, $0x0  }
.Ltmp0:
0x5: {  	_ = 	snop;
	(pc) =	sbr.rel @p0 .LBB2_4-.Ltmp0, $4  }
0x6: {  	_ = 	snop  }
0x7: {  	s2 =	rddreg [dreg:$0x0]  }
0x8: {  	s3 =	rddreg [dreg:$0x1]  }
0x9: {  	s1 =	rddreg [dreg:$0x2];
	_ =	strace $0x8000004A  }
0xa: {  	s4 =	sadd.s32 $0x800, s3;
	s3 =	simm.s32 $0x0;
	s6 =	ssub.s32 $0x2, s6  }
0xb: {  	[tilespmem:s3], [sflag:$0x2] =	stream.linear.gather [hbm4b:s4+s3], $0x80, $0x38;
	[tilespmem:$0x100] =	vst v63  }
0xc: {  	s5 =	simm.s32 $0x2;
	s7 =	sshrl.u32 s6, $0x1  }
0xd: {  	_ =	swait.ge [sflag:s5], $0x80;
	s8 =	ssub.s32 s6, s7  }
0xe: {  	[sflag:s5] =	ssyncset.done $0x0;
	p0 =	sne.s32 s8, $0x1  }
.Ltmp1:
0xf: {  	v0 =	vimm.f32 $1.000000000e+00;
	[sflag:s5] =	ssyncadd.s32 $0xFFFFFF80;
	(pc) =	sbr.rel @!p0 .LBB2_3-.Ltmp1, $4  }
0x10: {  	[tilespmem:$0xF0] =	vst v0  }
0x11: {  	[tilespmem:$0xE0] =	vst v0  }
0x12: {  	[tilespmem:$0xD0] =	vst v0  }
0x13: {  	s7 =	simm.s32 $0x80;
	s6 =	simm.s32 $0x1;
	s8 =	sadd.s32 $0xFFFFFFFF, s8;
	[tilespmem:$0xC0] =	vst v0  }
.LBB2_2:
0x14: {  	p0 =	sne.s32 s8, $0x1;
	s8 =	sadd.s32 $0xFFFFFFFF, s8;
	[tilespmem:$0xB0] =	vst v0  }
0x15: {  	[tilespmem:$0xA0] =	vst v0  }
0x16: {  	[tilespmem:$0x80] =	vst v0  }
0x17: {  	[tilespmem:$0x90] =	vst v0  }
0x18: {  	[hbm4b:s2+s7] =	stream.indirect.scatter [tilespmem:s7], [sflag:$0x1], $0x1, s3, s7, $0xb8;
	[tilespmem:$0x100] =	vst v63  }
0x19: {  	_ =	swait.ge [sflag:s6], $0x80  }
0x1a: {  	[sflag:s6] =	ssyncset.done $0x0  }
0x1b: {  	[sflag:s6] =	ssyncadd.s32 $0xFFFFFF80  }
0x1c: {  	[tilespmem:s3], [sflag:$0x2] =	stream.linear.gather [hbm4b:s4+s3], $0x80, $0x38;
	[tilespmem:$0x100] =	vst v63  }
0x1d: {  	_ =	swait.ge [sflag:s5], $0x80  }
0x1e: {  	[sflag:s5] =	ssyncset.done $0x0  }
.Ltmp2:
0x1f: {  	[sflag:s5] =	ssyncadd.s32 $0xFFFFFF80;
	(pc) =	sbr.rel @p0 .LBB2_2-.Ltmp2, $4  }
0x20: {  	[tilespmem:$0xF0] =	vst v0  }
0x21: {  	[tilespmem:$0xE0] =	vst v0  }
0x22: {  	[tilespmem:$0xD0] =	vst v0  }
0x23: {  	[tilespmem:$0xC0] =	vst v0  }
.LBB2_3:
0x24: {  	[tilespmem:$0xB0] =	vst v0  }
0x25: {  	[tilespmem:$0xA0] =	vst v0  }
0x26: {  	[tilespmem:$0x80] =	vst v0  }
0x27: {  	[tilespmem:$0x90] =	vst v0  }
0x28: {  	[hbm4b:s2+s7] =	stream.indirect.scatter [tilespmem:s7], [sflag:$0x1], $0x1, s3, s7, $0xb8;
	[tilespmem:$0x100] =	vst v63  }
0x29: {  	_ =	swait.ge [sflag:s6], $0x80  }
0x2a: {  	[sflag:s6] =	ssyncset.done $0x0  }
0x2b: {  	[sflag:s6] =	ssyncadd.s32 $0xFFFFFF80  }
.LBB2_4:
0x2c: {  	_ =	sfence.sel $0x180000  }
0x2d: {  	[bflag:$0x0] =	sbarrier.arrive $0xFFFF  }
0x2e: {  	p0 =	sne.s32 s0, $0x0;
	_ =	strace $0x9000004A  }
0x2f: {  	s0 =	sadd.s32 @!p0 $0x100000, s1;
	[bflag:$0x2] =	sbarrier.arrive $0xFFFF  }
0x30: {  	[sflag:s0] =	ssyncadd.tile.s32 @!p0 $0x1;
	_ =	shalt  }
.Lfunc_end2:
_tile_overlayer_lowered:
.L_overlay_start_2:
0x31: {  	(tag) =	ssettag $0x2  }
0x32: {  	s0 =	rddreg [dreg:$0x0];
	s2 =	stileid.u32  }
0x33: {  	s1 =	rddreg [dreg:$0x1];
	p0 =	sne.s32 s2, $0x0  }
0x34: {  	s3 =	rddreg [dreg:$0x2];
	[bflag:$0x3] =	sbarrier.arrive $0xFFFF;
	s2 =	simm.s32 @!p0 $0x1C02  }
0x35: {  	[timem:s3], [sflag:s2] =	dma.local @!p0 [hbm:s0], s1  }
0x36: {  	s0 =	simm.s32 @!p0 $0x2  }
0x37: {  	_ =	swait.ge @!p0 [sflag:s0], s1  }
0x38: {  	s1 =	ssub.s32 @!p0 $0x0, s1;
	[sflag:s0] =	ssyncset.done @!p0 $0x0  }
0x39: {  	[sflag:s0] =	ssyncadd.s32 @!p0 s1  }
0x3a: {  	[bflag:$0x3] =	sbarrier.arrive $0xFFFF  }
0x3b: {  	_ =	shalt  }

// kernel: sparse-core-data-format-call.cloned.1.call-start
scs
called_computation_lowered:
.L_overlay_start_0:
0x0: {  	s2 =	sld [smem:$0x3FD9]  }
0x1: {  	s3 =	sld [smem:$0x3FFE];
	_ =	sdelay $0x1  }
0x2: {  	s1 =	srdreg.scid  }
0x3: {  	s0 =	sand.u32 $0x1, s1  }
0x4: {  	s18 =	sshll.u32 s0, $0xA;
	s2 =	sadd.s32 s3, s2  }
0x5: {  	s2 =	sadd.s32 s2, s18  }
0x6: {  	[smem:$0x3FC7] =	sst s2  }
0x7: {  	_ = 	snop  }
0x8: {  	s2 =	sld [smem:$0x3FD0];
	(tm) =	ssettm $0x1  }
0x9: {  	s19 =	sld [smem:$0x3FFB];
	_ =	sdelay $0x3  }
0xa: {  	_ =	strace s19  }
0xb: {  	s3 =	sld [smem:$0x3FFC];
	_ =	sdelay $0x3  }
0xc: {  	_ =	strace s3  }
0xd: {  	s3 =	sld [smem:$0x3FFD];
	_ =	sdelay $0x3  }
0xe: {  	_ =	strace s3  }
0xf: {  	_ =	strace $0x8FFFFFFF  }
0x10: {  	s20 =	sld [smem:$0x3FDB];
	_ =	sdelay $0x1  }
0x11: {  	s4 =	simm.s32 $_scs_section_size  }
0x12: {  	s5 =	simm.s32 $_size__tile_overlayer_lowered;
	s6 =	simm.s32 $_tile_overlayer_lowered  }
0x13: {  	s23 =	simm.s32 $0x1BFF;
	s22 =	sshll.u32 s6, $0x1;
	s3 =	sadd.s32 s4, s20  }
0x14: {  	s7 =	simm.s32 $0x0;
	s21 =	sshll.u32 s5, $0x1;
	s5 =	sadd.s32 s22, s3  }
0x15: {  	[timem:s7], [sflag:s23] =	dma.local [hbm:s5], s21  }
0x16: {  	_ =	swait.ge [sflag:s23], s21  }
0x17: {  	s4 =	ssub.s32 $0x0, s21;
	[sflag:s23] =	ssyncset.done $0x0  }
0x18: {  	[sflag:s23] =	ssyncadd.s32 s4;
	_ =	sdelay $0x1  }
0x19: {  	s24 =	simm.s32 $0x1B8B  }
0x1a: {  	_ =	swait.ge [sflag:s24], $0x1  }
0x1b: {  	[sflag:s24] =	ssyncset.done $0x0  }
0x1c: {  	s26 =	simm.s32 $0x1B8E;
	s25 =	sld [smem:$0x3FFE];
	[sflag:s24] =	ssyncadd.s32 $0xFFFFFFFF  }
0x1d: {  	s27 =	simm.s32 $execute0_lowered;
	[smem:$0x3FD2] =	sst s26  }
0x1e: {  	s5 =	sshll.u32 s27, $0x1;
	_ =	strace $0x8000004C;
	[dreg:$0x1] =	wrdreg $0xFFFFFFFF  }
0x1f: {  	s28 =	simm.s32 $_size_execute0_lowered;
	s3 =	sadd.s32 s3, s5;
	[dreg:$0x0] =	wrdreg $0x0  }
0x20: {  	s5 =	sshll.u32 s28, $0x1;
	[dreg:$0x2] =	wrdreg s3  }
0x21: {  	[dreg:$0x3] =	wrdreg s5  }
0x22: {  	[dreg:$0x4] =	wrdreg $0xC0  }
0x23: {  	_ =	task [dreg:s7], $0x5FFFF  }
0x24: {  	[dreg:$0x1] =	wrdreg $0xFFFFFFFF  }
0x25: {  	[dreg:$0x0] =	wrdreg $0x60  }
0x26: {  	[dreg:$0x2] =	wrdreg s25  }
0x27: {  	[dreg:$0x3] =	wrdreg s2  }
0x28: {  	[dreg:$0x4] =	wrdreg $0x9  }
0x29: {  	_ =	task.clear_ibuf [dreg:s7], $0x5FFFF;
	_ =	strace $0x9000004C  }
0x2a: {  	s29 =	simm.s32 $0x9;
	_ =	strace $0x8000004E  }
0x2b: {  	_ =	swait.ge [sflag:s29], $0x1  }
0x2c: {  	[sflag:s29] =	ssyncadd.s32 $0xFFFFFFFF  }
0x2d: {  	_ =	strace $0x9000004E  }
0x2e: {  	_ =	sfence  }
0x2f: {  	s30 =	sld [smem:$0x0];
	_ =	sdelay $0x2  }
0x30: {  	s31 =	sshll.u32 s1, $0xD;
	s1 =	sshrl.u32 s1, $0x2  }
0x31: {  	s3 =	sand.u32 $0x4000, s31;
	s1 =	sadd.s32 s1, s30  }
0x32: {  	s0 =	sor.u32 s3, s0;
	s1 =	sshll.u32 s1, $0x11  }
0x33: {  	s0 =	sor.u32 s1, s0  }
0x34: {  	s0 =	sadd.s32 $0x8F2B, s0  }
0x35: {  	[sflag:s0] =	ssyncadd.remote.s32 $0x1  }
0x36: {  	_ =	sfence.sel $0xFFFF  }
0x37: {  	[dreg:$0x0] =	wrdreg $0xFFFFFFFF;
	(pc) =	sbr.abs _section_cstart, $3  }
0x38: {  	[dreg:$0x1] =	wrdreg $0xFFFFFFFF  }
0x39: {  	_ =	task.clear_ibuf [dreg:s7], $0x2FFFF;
	_ =	strace $0x9FFFFFFF  }
0x3a: {  	(tm) =	ssettm $0x7FFFFFFF  }
0x3b: {  	_ =	shalt  }
tec
execute0_lowered:
.L_overlay_start_1:
0x0: {  	(tag) =	ssettag $0x1  }
0x1: {  	s4 =	rddreg [dreg:$0x0]  }
0x2: {  	s0 =	srdreg.scid;
	s2 =	rddreg [dreg:$0x1]  }
0x3: {  	s1 =	stileid.u32;
	s5 =	simm.s32 $0x1;
	s7 =	simm.s32 $0x2  }
0x4: {  	s14 =	simm.s32 $0x0;
	p0 =	por $0x0, $0x0;
	s0 =	sshll.u32 s0, $0x4  }
0x5: {  	s13 =	simm.s32 $0x0;
	s8 =	simm.s32 $0x0;
	s3 =	sand.u32 $0x10, s0  }
.Ltmp0:
0x6: {  	s9 =	simm.s32 $0x0;
	s3 =	sor.u32 s1, s3;
	(pc) =	sbr.rel .LBB1_1-.Ltmp0, $4  }
0x7: {  	s11 =	simm.s32 $0x0;
	s12 =	simm.s32 $0x0;
	s3 =	sshll.u32 s3, $0x7  }
0x8: {  	s0 =	rddreg [dreg:$0x2];
	_ =	strace $0x8000004D;
	s6 =	ssub.s32 $0x18680, s3  }
0x9: {  	s4 =	sadd.s32 $0x800, s4;
	[sflag:s5] =	ssyncpa.u1 $0x0;
	s6 =	sshrl.u32 s6, $0xC  }
0xa: {  	[sflag:s7] =	ssyncpa.u1 $0x0;
	s10 =	smov.u32 s3;
	s7 =	sadd.s32 $0x2, s6  }
.LBB1_5:
0xb: {  	p1 =	slt.u32 s12, $0x2  }
0xc: {  	p2 =	sgt.s32 @!p1 s14, $0x18620  }
0xd: {  	s15 =	smov.u32 s14;
	s16 =	sshra.s32 @!p1 s14, $0x1F;
	p2 =	por !p2, p1  }
0xe: {  	s14 =	sand.u32 @!p1 s16, s14;
	s15 =	simm.s32 @p2 $0x18620  }
0xf: {  	s14 =	ssub.s32 @!p1 s15, s14;
	s15 =	ssub.s32 @!p1 $0x0, s13  }
0x10: {  	s17 =	smov.u32 s11;
	s16 =	sadd.s32 @!p1 $0xFFFE79E0, s14;
	s13 =	smin.u32 @!p1 s13, s15  }
0x11: {  	s14 =	ssub.s32 @!p1 $0x186A0, s14;
	p2 =	sgt.s32 @!p1 s16, $0x7F;
	p3 =	sgt.s32 @!p1 s13, $0x7F  }
0x12: {  	s13 =	ssub.s32 @!p1 $0x80, s13;
	p2 =	por !p2, p1;
	p3 =	por !p3, p1  }
0x13: {  	s15 =	sadd.s32 $0x1000, s10;
	s14 =	simm.s32 @!p2 $0x0;
	s13 =	simm.s32 @!p3 $0x0  }
0x14: {  	p2 =	sgt.s32 s15, $0x1869F;
	s13 =	smul.u32 @!p1 s13, s14;
	s14 =	sadd.s32 $0x80, s11  }
0x15: {  	s17 =	smov.u32 @p2 s14  }
0x16: {  	s15 =	smov.u32 @p2 s3;
	p2 =	sgt.s32 s17, $0x7F  }
0x17: {  	s17 =	simm.s32 @p2 $0x0;
	p2 =	sne.s32 s12, s7  }
.Ltmp1:
0x18: {  	p0 =	por !p0, !p0;
	s16 =	simm.s32 @!p1 $0x2;
	(pc) =	sbr.rel @!p2 .LBB1_6-.Ltmp1, $4  }
0x19: {  	s14 =	smov.u32 s8;
	s8 =	smov.u32 s10;
	s13 =	sand.u32 @!p1 $0x3FFFFFFF, s13  }
0x1a: {  	s10 =	smov.u32 s15;
	_ =	swait.ge @!p1 [sflag:s16], s13;
	s18 =	ssub.s32 @!p1 $0x0, s13  }
0x1b: {  	s13 =	smov.u32 s9;
	s12 =	sadd.s32 $0x1, s12;
	[sflag:s16] =	ssyncset.done @!p1 $0x0  }
0x1c: {  	s9 =	smov.u32 s11;
	s11 =	smov.u32 s17;
	[sflag:s16] =	ssyncadd.s32 @!p1 s18  }
.LBB1_1:
0x1d: {  	p1 =	sgt.u32 s12, s6  }
0x1e: {  	s15 =	sshrl.u32 @!p1 s11, $0x3  }
0x1f: {  	s16 =	sshll.u32 @!p1 s10, $0x3;
	s15 =	smul.u32 @!p1 $0xC3800, s15  }
0x20: {  	s17 =	sshll.u32 @!p1 s11, $0x7;
	s16 =	sand.u32 @!p1 $0xFFFFFC00, s16  }
0x21: {  	s15 =	sadd.s32 @!p1 s15, s16;
	s16 =	sand.u32 @!p1 $0x380, s17  }
0x22: {  	s17 =	sand.u32 @!p1 $0x7F, s10;
	s15 =	sor.u32 @!p1 s16, s15  }
0x23: {  	s16 =	sor.u32 @!p1 s17, s15  }
0x24: {  	s17 =	smulhi.u32 @!p1 $0xA79C7B17, s16;
	_ =	sdelay $0x1  }
0x25: {  	s15 =	smulhi.u32 @!p1 $0xA79C7B17, s15;
	s17 =	sshrl.u32 @!p1 s17, $0x10  }
0x26: {  	s17 =	smul.u32 @!p1 $0x18700, s17  }
0x27: {  	s18 =	sxor.u32 @!p1 $0xFFFFFFFF, s12;
	s15 =	sshrl.u32 @!p1 s15, $0x10  }
0x28: {  	s18 =	sshll.u32 @!p1 s18, $0xE;
	s15 =	sand.u32 @!p1 $0x7F, s15;
	s16 =	ssub.s32 @!p1 s16, s17  }
0x29: {  	s15 =	smul.u32 @!p1 $0x30E0, s15;
	s17 =	sshrl.u32 @!p1 s16, $0x3;
	s16 =	sand.u32 @!p1 $0x7, s16  }
0x2a: {  	s18 =	sand.u32 @!p1 $0x4000, s18;
	s17 =	sadd.s32 @!p1 s4, s17;
	s16 =	sshll.u32 @!p1 s16, $0x12  }
0x2b: {  	s15 =	sadd.s32 @!p1 s15, s17;
	s16 =	sor.u32 @!p1 $0x400, s16;
	s17 =	simm.s32 @!p1 $0xC3800  }
0x2c: {  	[tilespmem:s18], [sflag:$0x1] =	stream.strided.gather @!p1 [hbm4b:s15+s16], $0x4000, s17, s16, $0x38;
	[tilespmem:$0x10100] =	vst v63  }
0x2d: {  	p1 =	seq.s32 s12, $0x0  }
0x2e: {  	p2 =	sge.u32 @!p1 s12, s7  }
0x2f: {  	p1 =	por p1, p2  }
.Ltmp2:
0x30: {  	_ = 	snop;
	(pc) =	sbr.rel @p1 .LBB1_5-.Ltmp2, $1  }
0x31: {  	_ =	sdelay $0x3  }
0x32: {  	s15 =	simm.s32 $0x1  }
0x33: {  	_ =	swait.ge [sflag:s5], $0x4000;
	s15 =	simm.s32 @!p0 $0x0  }
0x34: {  	[sflag:s5] =	ssyncset.done $0x0;
	s16 =	sshll.u32 s15, $0xE  }
0x35: {  	[sflag:s5] =	ssyncadd.s32 $0xFFFFC000;
	s16 =	sor.u32 $0x40, s16  }
0x36: {  	s15 =	smul.u32 $0x10200, s15;
	v0 =	vld [tilespmem:s16+$0x30]  }
0x37: {  	v1 =	vld [tilespmem:s16+$0xFFFFFFD0]  }
0x38: {  	s15 =	sshrl.u32 s15, $0x2;
	v5 =	vld [tilespmem:s16+$0xFFFFFFE0]  }
0x39: {  	v6 =	vld [tilespmem:s16+$0xFFFFFFF0];
	s18 =	sor.u32 $0x8000, s15  }
0x3a: {  	s31 =	sand.u32 $0x1, s12;
	v4 =	vld [tilespmem:s16+$0x0];
	s17 =	sadd.s32 $0x0, s18  }
0x3b: {  	v3 =	vld [tilespmem:s16+$0x10];
	s15 =	smul.u32 $0x10200, s31;
	[tilespmem:s17+$0x3870 ss:$0x81] =	vst.msk $0xffff, v0  }
0x3c: {  	v2 =	vld [tilespmem:s16+$0x20];
	[tilespmem:s17+$0x810 ss:$0x81] =	vst.msk $0xffff, v1  }
0x3d: {  	s15 =	sshrl.u32 s15, $0x2;
	v0 =	vld [tilespmem:s16+$0xFFFFFFC0];
	[tilespmem:s17+$0x1020 ss:$0x81] =	vst.msk $0xffff, v5;
	s16 =	sadd.s32 $0x80, s16  }
0x3e: {  	s19 =	simm.s32 $0x4;
	s20 =	simm.s32 $0x8;
	s15 =	sor.u32 $0x8000, s15;
	[tilespmem:s17+$0x1830 ss:$0x81] =	vst.msk $0xffff, v6;
	v1 =	vld [tilespmem:s16+$0x30]  }
.LBB1_3:
0x3f: {  	p1 =	sne.s32 s20, $0x1FC;
	v5 =	vld [tilespmem:s16+$0xFFFFFFD0];
	[tilespmem:s17+$0x2040 ss:$0x81] =	vst.msk $0xffff, v4  }
0x40: {  	v6 =	vld [tilespmem:s16+$0xFFFFFFE0];
	[tilespmem:s17+$0x2850 ss:$0x81] =	vst.msk $0xffff, v3  }
0x41: {  	s21 =	sshra.s32 s19, $0x2;
	s19 =	smov.u32 s20;
	v7 =	vld [tilespmem:s16+$0xFFFFFFF0];
	[tilespmem:s17+$0x3060 ss:$0x81] =	vst.msk $0xffff, v2  }
.Ltmp3:
0x42: {  	v4 =	vld [tilespmem:s16+$0x0];
	[tilespmem:s17+$0x0 ss:$0x81] =	vst.msk $0xffff, v0;
	s17 =	sadd.s32 s21, s18;
	(pc) =	sbr.rel @p1 .LBB1_3-.Ltmp3, $4  }
0x43: {  	v3 =	vld [tilespmem:s16+$0x10];
	[tilespmem:s17+$0x3870 ss:$0x81] =	vst.msk $0xffff, v1  }
0x44: {  	[tilespmem:s17+$0x810 ss:$0x81] =	vst.msk $0xffff, v5;
	v2 =	vld [tilespmem:s16+$0x20]  }
0x45: {  	v0 =	vld [tilespmem:s16+$0xFFFFFFC0];
	[tilespmem:s17+$0x1020 ss:$0x81] =	vst.msk $0xffff, v6;
	s16 =	sadd.s32 $0x80, s16  }
0x46: {  	s20 =	sadd.s32 $0x4, s20;
	v1 =	vld [tilespmem:s16+$0x30];
	[tilespmem:s17+$0x1830 ss:$0x81] =	vst.msk $0xffff, v7  }
0x47: {  	s20 =	sshll.u32 s8, $0x7;
	s21 =	sshll.u32 s9, $0x3;
	s19 =	sshra.s32 s19, $0x2  }
0x48: {  	v5 =	vld [tilespmem:s16+$0xFFFFFFD0];
	[tilespmem:s17+$0x2040 ss:$0x81] =	vst.msk $0xffff, v4;
	p1 =	sgt.s32 s8, $0x18620;
	s22 =	sand.u32 $0xFFFFFC00, s20;
	s21 =	sand.u32 $0xFFFFFC00, s21  }
0x49: {  	v58 =	vld [tilespmem:s16+$0xFFFFFFE0];
	s24 =	sshra.s32 s8, $0x1F;
	s20 =	sand.u32 $0x380, s20;
	[tilespmem:s17+$0x2850 ss:$0x81] =	vst.msk $0xffff, v3;
	s21 =	sadd.s32 s21, s22  }
0x4a: {  	v59 =	vld [tilespmem:s16+$0xFFFFFFF0];
	s26 =	ssub.s32 $0x0, s9;
	s18 =	sadd.s32 s19, s18;
	[tilespmem:s17+$0x3060 ss:$0x81] =	vst.msk $0xffff, v2;
	s23 =	sor.u32 s20, s21  }
0x4b: {  	v60 =	vld [tilespmem:s16+$0x0];
	s28 =	smin.u32 s9, s26;
	s20 =	smov.u32 s8;
	[tilespmem:s17+$0x0 ss:$0x81] =	vst.msk $0xffff, v0;
	s19 =	sshrl.u32 s23, $0x7  }
0x4c: {  	v61 =	vld [tilespmem:s16+$0x10];
	s21 =	sand.u32 s24, s8;
	s20 =	simm.s32 @!p1 $0x18620;
	[tilespmem:s18+$0x3870 ss:$0x81] =	vst.msk $0xffff, v1;
	s25 =	smulhi.u32 $0x14F8B59, s19  }
0x4d: {  	v62 =	vld [tilespmem:s16+$0x20];
	s29 =	sshrl.u32 s9, $0x3;
	p2 =	sgt.s32 s28, $0x7F;
	s20 =	ssub.s32 s20, s21;
	[tilespmem:s18+$0x810 ss:$0x81] =	vst.msk $0xffff, v5  }
0x4e: {  	v63 =	vld [tilespmem:s16+$0xFFFFFFC0];
	[tilespmem:s18+$0x1020 ss:$0x81] =	vst.msk $0xffff, v58;
	s21 =	sadd.s32 $0xFFFE79E0, s20;
	s20 =	ssub.s32 $0x186A0, s20;
	s17 =	sshrl.u32 s25, $0x9  }
0x4f: {  	[tilespmem:s18+$0x1830 ss:$0x81] =	vst.msk $0xffff, v59;
	p1 =	sgt.s32 s21, $0x7F;
	s27 =	smul.u32 $0x186A0, s17;
	s17 =	ssub.s32 $0x80, s28  }
.Ltmp4:
0x50: {  	[tilespmem:s18+$0x2040 ss:$0x81] =	vst.msk $0xffff, v60;
	s20 =	simm.s32 @p1 $0x0;
	s17 =	simm.s32 @p2 $0x0;
	(pc) =	sbr.rel .LBB1_5-.Ltmp4, $4  }
0x51: {  	s30 =	sand.u32 $0xF, s29;
	[tilespmem:s18+$0x2850 ss:$0x81] =	vst.msk $0xffff, v61;
	s16 =	ssub.s32 s19, s27;
	s17 =	smul.u32 s17, s20  }
0x52: {  	[tilespmem:s18+$0x3060 ss:$0x81] =	vst.msk $0xffff, v62;
	s19 =	sadd.s32 s2, s30;
	s16 =	sshll.u32 s16, $0x4  }
0x53: {  	s31 =	sand.u32 $0x7, s9;
	[tilespmem:s18+$0x0 ss:$0x81] =	vst.msk $0xffff, v63;
	s17 =	sand.u32 $0x3FFFFFFF, s17;
	s16 =	sadd.s32 s16, s19  }
0x54: {  	[hbm4b:s16+s31] =	stream.linear.scatter [tilespmem:s15], [sflag:$0x2], s17, $0x20;
	[tilespmem:$0x10100] =	vst v63  }
.LBB1_6:
0x55: {  	_ =	sfence.sel $0x180000  }
0x56: {  	s2 =	simm.s32 $0x1;
	[bflag:$0x0] =	sbarrier.arrive $0xFFFF  }
0x57: {  	s31 =	simm.s32 $0x2;
	[sflag:s2] =	ssyncpa.u1 $0x1  }
0x58: {  	[sflag:s31] =	ssyncpa.u1 $0x1  }
0x59: {  	p0 =	sne.s32 s1, $0x0;
	_ =	strace $0x9000004D  }
0x5a: {  	s0 =	sadd.s32 @!p0 $0x100000, s0;
	[bflag:$0x2] =	sbarrier.arrive $0xFFFF  }
0x5b: {  	[sflag:s0] =	ssyncadd.tile.s32 @!p0 $0x1;
	_ =	shalt  }
.Lfunc_end1:
_tile_overlayer_lowered:
.L_overlay_start_2:
0x5c: {  	(tag) =	ssettag $0x2  }
0x5d: {  	s0 =	rddreg [dreg:$0x0];
	s2 =	stileid.u32  }
0x5e: {  	s1 =	rddreg [dreg:$0x1];
	p0 =	sne.s32 s2, $0x0  }
0x5f: {  	s3 =	rddreg [dreg:$0x2];
	[bflag:$0x3] =	sbarrier.arrive $0xFFFF;
	s2 =	simm.s32 @!p0 $0x1C01  }
0x60: {  	[timem:s3], [sflag:s2] =	dma.local @!p0 [hbm:s0], s1  }
0x61: {  	s0 =	simm.s32 @!p0 $0x1  }
0x62: {  	_ =	swait.ge @!p0 [sflag:s0], s1  }
0x63: {  	s1 =	ssub.s32 @!p0 $0x0, s1;
	[sflag:s0] =	ssyncset.done @!p0 $0x0  }
0x64: {  	[sflag:s0] =	ssyncadd.s32 @!p0 s1  }
0x65: {  	[bflag:$0x3] =	sbarrier.arrive $0xFFFF  }
0x66: {  	_ =	shalt  }

</sc_bundles>
